<compile_context>
chip_gen: v7x
topology: tpu7x:2x2x1
jax: 0.10.2.dev20260603
libtpu: 0.0.44.dev20260713+nightly
codegen_flags: <defaults>
</compile_context>

<pallas_src>
import functools

import jax
import jax.numpy as jnp
from jax import lax
from jax.experimental import pallas as pl
from jax.experimental.pallas import tpu as pltpu
from jax.experimental.pallas import tpu_sc as plsc

B, F, T, D = 16384, 256, 512, 8
NC, NS = 2, 16
NW = NC * NS
TGROUPS = 4
BGROUPS = NW // TGROUPS
TW = T // TGROUPS
BW = B // BGROUPS
CB = 32
NCHUNK = BW // CB
NLVL = D - 1
LVL = [TW * (2 ** i) for i in range(1, D)]


def _tree_body(*refs):
    x_hbm, rn_hbm, rb_hbm = refs[0:3]
    nd_hbm = refs[3:3 + NLVL]
    bs_hbm = refs[3 + NLVL:3 + 2 * NLVL]
    leaf_hbm = refs[3 + 2 * NLVL]
    out_hbm = refs[4 + 2 * NLVL]
    rn_v, rb_v = refs[5 + 2 * NLVL], refs[6 + 2 * NLVL]
    nd_v = refs[7 + 2 * NLVL:7 + 3 * NLVL]
    bs_v = refs[7 + 3 * NLVL:7 + 4 * NLVL]
    leaf_v = refs[7 + 4 * NLVL]
    x_v = refs[8 + 4 * NLVL]
    out_v = refs[9 + 4 * NLVL]

    c = lax.axis_index("c")
    s = lax.axis_index("s")
    wid = s * NC + c
    tg = wid % TGROUPS
    bg = wid // TGROUPS
    t0 = tg * TW
    row0 = bg * BW

    pltpu.sync_copy(rn_hbm.at[pl.ds(t0, TW)], rn_v)
    pltpu.sync_copy(rb_hbm.at[pl.ds(t0, TW)], rb_v)
    for i in range(NLVL):
        off = t0 * (2 ** (i + 1))
        pltpu.sync_copy(nd_hbm[i].at[pl.ds(off, LVL[i])], nd_v[i])
        pltpu.sync_copy(bs_hbm[i].at[pl.ds(off, LVL[i])], bs_v[i])
    pltpu.sync_copy(leaf_hbm.at[pl.ds(t0 * (2 ** D), TW * (2 ** D))], leaf_v)

    lane = lax.broadcasted_iota(jnp.int32, (16,), 0)

    def chunk_body(g, carry):
        r0 = row0 + g * CB
        pltpu.sync_copy(x_hbm.at[pl.ds(r0, CB)], x_v)

        def row_body(b, inner):
            brow = jnp.full((16,), b, dtype=jnp.int32)
            for tv in range(TW // 16):
                ltv = tv * 16 + lane
                rf = rn_v[pl.ds(tv * 16, 16)]
                rbv = rb_v[pl.ds(tv * 16, 16)]
                xv = plsc.load_gather(x_v, [brow, rf])
                prev = 2 * ltv + (xv >= rbv).astype(jnp.int32)
                for i in range(NLVL):
                    nf = plsc.load_gather(nd_v[i], [prev])
                    bv = plsc.load_gather(bs_v[i], [prev])
                    xv = plsc.load_gather(x_v, [brow, nf])
                    prev = 2 * prev + (xv >= bv).astype(jnp.int32)
                leaf = plsc.load_gather(leaf_v, [prev])
                out_v[b, pl.ds(tv * 16, 16)] = leaf
            return inner

        lax.fori_loop(0, CB, row_body, 0)
        pltpu.sync_copy(out_v, out_hbm.at[pl.ds(r0, CB), pl.ds(t0, TW)])
        return carry

    lax.fori_loop(0, NCHUNK, chunk_body, 0)


_tree_fn = pl.kernel(
    _tree_body,
    out_type=jax.ShapeDtypeStruct((B, T), jnp.float32),
    mesh=plsc.VectorSubcoreMesh(core_axis_name="c", subcore_axis_name="s"),
    compiler_params=pltpu.CompilerParams(
        use_tc_tiling_on_sc=False, needs_layout_passes=False),
    scratch_types=[
        pltpu.VMEM((TW,), jnp.int32),
        pltpu.VMEM((TW,), jnp.float32),
        *[pltpu.VMEM((LVL[i],), jnp.int32) for i in range(NLVL)],
        *[pltpu.VMEM((LVL[i],), jnp.float32) for i in range(NLVL)],
        pltpu.VMEM((TW * (2 ** D),), jnp.float32),
        pltpu.VMEM((CB, F), jnp.float32),
        pltpu.VMEM((CB, TW), jnp.float32),
    ],
)


def kernel(x, root_nodes, root_biases, tree_indices, nodes, biases, leaf_nodes):
    del tree_indices
    out = _tree_fn(x, root_nodes, root_biases, *nodes, *biases,
                   leaf_nodes.reshape(-1))
    return out.reshape(B, T, 1)

# --- scband reference (transcript-rebuilt; emitter-appended) ---
"""Pipeline reference for scband-perfect-tree-traversal-tree-impl-50483045597802 (READ-ONLY COPY).

The authoritative reference and input builder live on the scoring server;
editing this copy changes nothing except your own understanding.
"""

import jax, jax.numpy as jnp
import numpy as np

B, F, T, D = 16384, 256, 512, 8

def setup_inputs(seed: int = 0):
    key = jax.random.key(seed)
    x = jax.random.normal(jax.random.fold_in(key, 0), (B, F), dtype=jnp.float32)
    root_nodes = jax.random.randint(jax.random.fold_in(key, 1), (T,), 0, F, dtype=jnp.int32)
    root_biases = jax.random.normal(jax.random.fold_in(key, 2), (T,), dtype=jnp.float32)
    tree_indices = jnp.arange(0, 2 * T, 2, dtype=jnp.int32)
    nodes = tuple(jax.random.randint(jax.random.fold_in(key, 10 + i), (T * (2 ** i),), 0, F, dtype=jnp.int32) for i in range(1, D))
    biases = tuple(jax.random.normal(jax.random.fold_in(key, 100 + i), (T * (2 ** i),), dtype=jnp.float32) for i in range(1, D))
    leaf_nodes = jax.random.normal(jax.random.fold_in(key, 200), (T * (2 ** D), 1), dtype=jnp.float32)
    return {"x": x, "root_nodes": root_nodes, "root_biases": root_biases, "tree_indices": tree_indices, "nodes": nodes, "biases": biases, "leaf_nodes": leaf_nodes}

def reference(x, root_nodes, root_biases, tree_indices, nodes, biases, leaf_nodes):
    # root level: compare selected feature against root bias, pick left/right child
    prev = (jnp.take(x, root_nodes, axis=1) >= root_biases[None, :]).astype(jnp.int32)
    prev = (prev + tree_indices[None, :]).reshape(-1)  # [B*T], encodes (tree, node-in-level)
    # traverse remaining levels of the perfect tree
    for nd, bs in zip(nodes, biases):
        gather_indices = jnp.take(nd, prev, axis=0).reshape(-1, T)  # [B, T] feature ids
        features = jnp.take_along_axis(x, gather_indices, axis=1).reshape(-1)
        prev = 2 * prev + (features >= jnp.take(bs, prev, axis=0)).astype(jnp.int32)
    # leaf lookup; regression => aggregation is identity, output returned directly
    output = jnp.take(leaf_nodes, prev, axis=0).reshape(-1, T, leaf_nodes.shape[1])
    return output

if __name__ == "__main__":
    import jax
    _d = setup_inputs()
    print(jax.jit(kernel)(*tuple(_d.values())))

</pallas_src>

<mosaic_0001>
#map = affine_map<(d0, d1) -> (0, 0)>
#map1 = affine_map<(d0, d1) -> (0)>
module attributes {stable_mosaic.version = 14 : i64} {
  func.func @_tree_body(%arg0: i32, %arg1: i32, %arg2: memref<16384x256xf32, #tpu.memory_space<hbm>>, %arg3: memref<512xi32, #tpu.memory_space<hbm>>, %arg4: memref<512xf32, #tpu.memory_space<hbm>>, %arg5: memref<1024xi32, #tpu.memory_space<hbm>>, %arg6: memref<2048xi32, #tpu.memory_space<hbm>>, %arg7: memref<4096xi32, #tpu.memory_space<hbm>>, %arg8: memref<8192xi32, #tpu.memory_space<hbm>>, %arg9: memref<16384xi32, #tpu.memory_space<hbm>>, %arg10: memref<32768xi32, #tpu.memory_space<hbm>>, %arg11: memref<65536xi32, #tpu.memory_space<hbm>>, %arg12: memref<1024xf32, #tpu.memory_space<hbm>>, %arg13: memref<2048xf32, #tpu.memory_space<hbm>>, %arg14: memref<4096xf32, #tpu.memory_space<hbm>>, %arg15: memref<8192xf32, #tpu.memory_space<hbm>>, %arg16: memref<16384xf32, #tpu.memory_space<hbm>>, %arg17: memref<32768xf32, #tpu.memory_space<hbm>>, %arg18: memref<65536xf32, #tpu.memory_space<hbm>>, %arg19: memref<131072xf32, #tpu.memory_space<hbm>>, %arg20: memref<16384x512xf32, #tpu.memory_space<hbm>>, %arg21: memref<128xi32, #tpu.memory_space<vmem>>, %arg22: memref<128xf32, #tpu.memory_space<vmem>>, %arg23: memref<256xi32, #tpu.memory_space<vmem>>, %arg24: memref<512xi32, #tpu.memory_space<vmem>>, %arg25: memref<1024xi32, #tpu.memory_space<vmem>>, %arg26: memref<2048xi32, #tpu.memory_space<vmem>>, %arg27: memref<4096xi32, #tpu.memory_space<vmem>>, %arg28: memref<8192xi32, #tpu.memory_space<vmem>>, %arg29: memref<16384xi32, #tpu.memory_space<vmem>>, %arg30: memref<256xf32, #tpu.memory_space<vmem>>, %arg31: memref<512xf32, #tpu.memory_space<vmem>>, %arg32: memref<1024xf32, #tpu.memory_space<vmem>>, %arg33: memref<2048xf32, #tpu.memory_space<vmem>>, %arg34: memref<4096xf32, #tpu.memory_space<vmem>>, %arg35: memref<8192xf32, #tpu.memory_space<vmem>>, %arg36: memref<16384xf32, #tpu.memory_space<vmem>>, %arg37: memref<32768xf32, #tpu.memory_space<vmem>>, %arg38: memref<32x256xf32, #tpu.memory_space<vmem>>, %arg39: memref<32x128xf32, #tpu.memory_space<vmem>>) attributes {dimension_semantics = [#tpu.dimension_semantics<core_parallel>, #tpu.dimension_semantics<subcore_parallel>], iteration_bounds = array<i64: 2, 16>, scalar_prefetch = 0 : i64, scratch_operands = 19 : i64, tpu.core_type = #tpu.core_type<sc_vector_subcore>, window_params = [{transform_indices = #map}, {transform_indices = #map1}, {transform_indices = #map1}, {transform_indices = #map1}, {transform_indices = #map1}, {transform_indices = #map1}, {transform_indices = #map1}, {transform_indices = #map1}, {transform_indices = #map1}, {transform_indices = #map1}, {transform_indices = #map1}, {transform_indices = #map1}, {transform_indices = #map1}, {transform_indices = #map1}, {transform_indices = #map1}, {transform_indices = #map1}, {transform_indices = #map1}, {transform_indices = #map1}, {transform_indices = #map}]} {
    %mul3A = arith.constant 2 : i32
    %mul3A_0 = arith.muli %arg1, %mul3A : i32
    %add3A = arith.addi %mul3A_0, %arg0 : i32
    %jit3A = arith.constant 4 : i32
    %eq3A = arith.constant 0 : i32
    %eq3A_1 = arith.cmpi eq, %jit3A, %eq3A : i32
    %jit3A_2 = arith.constant 1 : i32
    %select_n3A = arith.select %eq3A_1, %jit3A_2, %jit3A : i32
    %rem3A = arith.remsi %add3A, %select_n3A : i32
    %ne3A = arith.constant 0 : i32
    %ne3A_3 = arith.cmpi ne, %rem3A, %ne3A : i32
    %lt3A = arith.constant 0 : i32
    %lt3A_4 = arith.cmpi slt, %rem3A, %lt3A : i32
    %lt3A_5 = arith.constant 0 : i32
    %lt3A_6 = arith.cmpi slt, %select_n3A, %lt3A_5 : i32
    %ne3A_7 = arith.xori %lt3A_4, %lt3A_6 : i1
    %and3A = arith.andi %ne3A_7, %ne3A_3 : i1
    %add3A_8 = arith.addi %rem3A, %select_n3A : i32
    %select_n3A_9 = arith.select %and3A, %add3A_8, %rem3A : i32
    %jit3A_10 = arith.constant 4 : i32
    %div3A = arith.divsi %add3A, %jit3A_10 : i32
    %sign3A = arith.constant 0 : i32
    %sign3A_11 = arith.cmpi sgt, %add3A, %sign3A : i32
    %sign3A_12 = arith.extui %sign3A_11 : i1 to i32
    %sign3A_13 = arith.constant 0 : i32
    %sign3A_14 = arith.cmpi slt, %add3A, %sign3A_13 : i32
    %sign3A_15 = arith.extui %sign3A_14 : i1 to i32
    %sign3A_16 = arith.subi %sign3A_12, %sign3A_15 : i32
    %sign3A_17 = arith.constant 0 : i32
    %sign3A_18 = arith.cmpi sgt, %jit3A_10, %sign3A_17 : i32
    %sign3A_19 = arith.extui %sign3A_18 : i1 to i32
    %sign3A_20 = arith.constant 0 : i32
    %sign3A_21 = arith.cmpi slt, %jit3A_10, %sign3A_20 : i32
    %sign3A_22 = arith.extui %sign3A_21 : i1 to i32
    %sign3A_23 = arith.subi %sign3A_19, %sign3A_22 : i32
    %ne3A_24 = arith.cmpi ne, %sign3A_16, %sign3A_23 : i32
    %rem3A_25 = arith.remsi %add3A, %jit3A_10 : i32
    %ne3A_26 = arith.constant 0 : i32
    %ne3A_27 = arith.cmpi ne, %rem3A_25, %ne3A_26 : i32
    %and3A_28 = arith.andi %ne3A_24, %ne3A_27 : i1
    %sub3A = arith.constant 1 : i32
    %sub3A_29 = arith.subi %div3A, %sub3A : i32
    %select_n3A_30 = arith.select %and3A_28, %sub3A_29, %div3A : i32
    %mul3A_31 = arith.constant 128 : i32
    %mul3A_32 = arith.muli %select_n3A_9, %mul3A_31 : i32
    %mul3A_33 = arith.constant 2048 : i32
    %mul3A_34 = arith.muli %select_n3A_30, %mul3A_33 : i32
    "tpu.region"() ({
      %run_scoped3A = tpu.sem_alloc : memref<!tpu.dma_semaphore, #tpu.memory_space<semaphore_mem>>
      %dma_start3A = tpu.memref_slice %arg3[%mul3A_32] : memref<512xi32, #tpu.memory_space<hbm>> -> memref<128xi32, #tpu.memory_space<hbm>>
      %dma_start3A_56 = tpu.memref_slice %arg3[%mul3A_32] : memref<512xi32, #tpu.memory_space<hbm>> -> memref<128xi32, #tpu.memory_space<hbm>>
      tpu.enqueue_dma source(%dma_start3A_56 : memref<128xi32, #tpu.memory_space<hbm>>) target(%arg21 : memref<128xi32, #tpu.memory_space<vmem>>) target_semaphore(%run_scoped3A : memref<!tpu.dma_semaphore, #tpu.memory_space<semaphore_mem>>)
      %dma_wait3A = tpu.memref_slice %arg3[%mul3A_32] : memref<512xi32, #tpu.memory_space<hbm>> -> memref<128xi32, #tpu.memory_space<hbm>>
      %dma_wait3A_57 = tpu.memref_slice %arg3[%mul3A_32] : memref<512xi32, #tpu.memory_space<hbm>> -> memref<128xi32, #tpu.memory_space<hbm>>
      tpu.wait_dma2 semaphore(%run_scoped3A : memref<!tpu.dma_semaphore, #tpu.memory_space<semaphore_mem>>) src(%dma_wait3A_57 : memref<128xi32, #tpu.memory_space<hbm>>) dst(%arg21 : memref<128xi32, #tpu.memory_space<vmem>>)
      tpu.yield
    }) : () -> ()
    "tpu.region"() ({
      %run_scoped3A = tpu.sem_alloc : memref<!tpu.dma_semaphore, #tpu.memory_space<semaphore_mem>>
      %dma_start3A = tpu.memref_slice %arg4[%mul3A_32] : memref<512xf32, #tpu.memory_space<hbm>> -> memref<128xf32, #tpu.memory_space<hbm>>
      %dma_start3A_56 = tpu.memref_slice %arg4[%mul3A_32] : memref<512xf32, #tpu.memory_space<hbm>> -> memref<128xf32, #tpu.memory_space<hbm>>
      tpu.enqueue_dma source(%dma_start3A_56 : memref<128xf32, #tpu.memory_space<hbm>>) target(%arg22 : memref<128xf32, #tpu.memory_space<vmem>>) target_semaphore(%run_scoped3A : memref<!tpu.dma_semaphore, #tpu.memory_space<semaphore_mem>>)
      %dma_wait3A = tpu.memref_slice %arg4[%mul3A_32] : memref<512xf32, #tpu.memory_space<hbm>> -> memref<128xf32, #tpu.memory_space<hbm>>
      %dma_wait3A_57 = tpu.memref_slice %arg4[%mul3A_32] : memref<512xf32, #tpu.memory_space<hbm>> -> memref<128xf32, #tpu.memory_space<hbm>>
      tpu.wait_dma2 semaphore(%run_scoped3A : memref<!tpu.dma_semaphore, #tpu.memory_space<semaphore_mem>>) src(%dma_wait3A_57 : memref<128xf32, #tpu.memory_space<hbm>>) dst(%arg22 : memref<128xf32, #tpu.memory_space<vmem>>)
      tpu.yield
    }) : () -> ()
    %mul3A_35 = arith.constant 2 : i32
    %mul3A_36 = arith.muli %mul3A_32, %mul3A_35 : i32
    "tpu.region"() ({
      %run_scoped3A = tpu.sem_alloc : memref<!tpu.dma_semaphore, #tpu.memory_space<semaphore_mem>>
      %dma_start3A = tpu.memref_slice %arg5[%mul3A_36] : memref<1024xi32, #tpu.memory_space<hbm>> -> memref<256xi32, #tpu.memory_space<hbm>>
      %dma_start3A_56 = tpu.memref_slice %arg5[%mul3A_36] : memref<1024xi32, #tpu.memory_space<hbm>> -> memref<256xi32, #tpu.memory_space<hbm>>
      tpu.enqueue_dma source(%dma_start3A_56 : memref<256xi32, #tpu.memory_space<hbm>>) target(%arg23 : memref<256xi32, #tpu.memory_space<vmem>>) target_semaphore(%run_scoped3A : memref<!tpu.dma_semaphore, #tpu.memory_space<semaphore_mem>>)
      %dma_wait3A = tpu.memref_slice %arg5[%mul3A_36] : memref<1024xi32, #tpu.memory_space<hbm>> -> memref<256xi32, #tpu.memory_space<hbm>>
      %dma_wait3A_57 = tpu.memref_slice %arg5[%mul3A_36] : memref<1024xi32, #tpu.memory_space<hbm>> -> memref<256xi32, #tpu.memory_space<hbm>>
      tpu.wait_dma2 semaphore(%run_scoped3A : memref<!tpu.dma_semaphore, #tpu.memory_space<semaphore_mem>>) src(%dma_wait3A_57 : memref<256xi32, #tpu.memory_space<hbm>>) dst(%arg23 : memref<256xi32, #tpu.memory_space<vmem>>)
      tpu.yield
    }) : () -> ()
    "tpu.region"() ({
      %run_scoped3A = tpu.sem_alloc : memref<!tpu.dma_semaphore, #tpu.memory_space<semaphore_mem>>
      %dma_start3A = tpu.memref_slice %arg12[%mul3A_36] : memref<1024xf32, #tpu.memory_space<hbm>> -> memref<256xf32, #tpu.memory_space<hbm>>
      %dma_start3A_56 = tpu.memref_slice %arg12[%mul3A_36] : memref<1024xf32, #tpu.memory_space<hbm>> -> memref<256xf32, #tpu.memory_space<hbm>>
      tpu.enqueue_dma source(%dma_start3A_56 : memref<256xf32, #tpu.memory_space<hbm>>) target(%arg30 : memref<256xf32, #tpu.memory_space<vmem>>) target_semaphore(%run_scoped3A : memref<!tpu.dma_semaphore, #tpu.memory_space<semaphore_mem>>)
      %dma_wait3A = tpu.memref_slice %arg12[%mul3A_36] : memref<1024xf32, #tpu.memory_space<hbm>> -> memref<256xf32, #tpu.memory_space<hbm>>
      %dma_wait3A_57 = tpu.memref_slice %arg12[%mul3A_36] : memref<1024xf32, #tpu.memory_space<hbm>> -> memref<256xf32, #tpu.memory_space<hbm>>
      tpu.wait_dma2 semaphore(%run_scoped3A : memref<!tpu.dma_semaphore, #tpu.memory_space<semaphore_mem>>) src(%dma_wait3A_57 : memref<256xf32, #tpu.memory_space<hbm>>) dst(%arg30 : memref<256xf32, #tpu.memory_space<vmem>>)
      tpu.yield
    }) : () -> ()
    %mul3A_37 = arith.constant 4 : i32
    %mul3A_38 = arith.muli %mul3A_32, %mul3A_37 : i32
    "tpu.region"() ({
      %run_scoped3A = tpu.sem_alloc : memref<!tpu.dma_semaphore, #tpu.memory_space<semaphore_mem>>
      %dma_start3A = tpu.memref_slice %arg6[%mul3A_38] : memref<2048xi32, #tpu.memory_space<hbm>> -> memref<512xi32, #tpu.memory_space<hbm>>
      %dma_start3A_56 = tpu.memref_slice %arg6[%mul3A_38] : memref<2048xi32, #tpu.memory_space<hbm>> -> memref<512xi32, #tpu.memory_space<hbm>>
      tpu.enqueue_dma source(%dma_start3A_56 : memref<512xi32, #tpu.memory_space<hbm>>) target(%arg24 : memref<512xi32, #tpu.memory_space<vmem>>) target_semaphore(%run_scoped3A : memref<!tpu.dma_semaphore, #tpu.memory_space<semaphore_mem>>)
      %dma_wait3A = tpu.memref_slice %arg6[%mul3A_38] : memref<2048xi32, #tpu.memory_space<hbm>> -> memref<512xi32, #tpu.memory_space<hbm>>
      %dma_wait3A_57 = tpu.memref_slice %arg6[%mul3A_38] : memref<2048xi32, #tpu.memory_space<hbm>> -> memref<512xi32, #tpu.memory_space<hbm>>
      tpu.wait_dma2 semaphore(%run_scoped3A : memref<!tpu.dma_semaphore, #tpu.memory_space<semaphore_mem>>) src(%dma_wait3A_57 : memref<512xi32, #tpu.memory_space<hbm>>) dst(%arg24 : memref<512xi32, #tpu.memory_space<vmem>>)
      tpu.yield
    }) : () -> ()
    "tpu.region"() ({
      %run_scoped3A = tpu.sem_alloc : memref<!tpu.dma_semaphore, #tpu.memory_space<semaphore_mem>>
      %dma_start3A = tpu.memref_slice %arg13[%mul3A_38] : memref<2048xf32, #tpu.memory_space<hbm>> -> memref<512xf32, #tpu.memory_space<hbm>>
      %dma_start3A_56 = tpu.memref_slice %arg13[%mul3A_38] : memref<2048xf32, #tpu.memory_space<hbm>> -> memref<512xf32, #tpu.memory_space<hbm>>
      tpu.enqueue_dma source(%dma_start3A_56 : memref<512xf32, #tpu.memory_space<hbm>>) target(%arg31 : memref<512xf32, #tpu.memory_space<vmem>>) target_semaphore(%run_scoped3A : memref<!tpu.dma_semaphore, #tpu.memory_space<semaphore_mem>>)
      %dma_wait3A = tpu.memref_slice %arg13[%mul3A_38] : memref<2048xf32, #tpu.memory_space<hbm>> -> memref<512xf32, #tpu.memory_space<hbm>>
      %dma_wait3A_57 = tpu.memref_slice %arg13[%mul3A_38] : memref<2048xf32, #tpu.memory_space<hbm>> -> memref<512xf32, #tpu.memory_space<hbm>>
      tpu.wait_dma2 semaphore(%run_scoped3A : memref<!tpu.dma_semaphore, #tpu.memory_space<semaphore_mem>>) src(%dma_wait3A_57 : memref<512xf32, #tpu.memory_space<hbm>>) dst(%arg31 : memref<512xf32, #tpu.memory_space<vmem>>)
      tpu.yield
    }) : () -> ()
    %mul3A_39 = arith.constant 8 : i32
    %mul3A_40 = arith.muli %mul3A_32, %mul3A_39 : i32
    "tpu.region"() ({
      %run_scoped3A = tpu.sem_alloc : memref<!tpu.dma_semaphore, #tpu.memory_space<semaphore_mem>>
      %dma_start3A = tpu.memref_slice %arg7[%mul3A_40] : memref<4096xi32, #tpu.memory_space<hbm>> -> memref<1024xi32, #tpu.memory_space<hbm>>
      %dma_start3A_56 = tpu.memref_slice %arg7[%mul3A_40] : memref<4096xi32, #tpu.memory_space<hbm>> -> memref<1024xi32, #tpu.memory_space<hbm>>
      tpu.enqueue_dma source(%dma_start3A_56 : memref<1024xi32, #tpu.memory_space<hbm>>) target(%arg25 : memref<1024xi32, #tpu.memory_space<vmem>>) target_semaphore(%run_scoped3A : memref<!tpu.dma_semaphore, #tpu.memory_space<semaphore_mem>>)
      %dma_wait3A = tpu.memref_slice %arg7[%mul3A_40] : memref<4096xi32, #tpu.memory_space<hbm>> -> memref<1024xi32, #tpu.memory_space<hbm>>
      %dma_wait3A_57 = tpu.memref_slice %arg7[%mul3A_40] : memref<4096xi32, #tpu.memory_space<hbm>> -> memref<1024xi32, #tpu.memory_space<hbm>>
      tpu.wait_dma2 semaphore(%run_scoped3A : memref<!tpu.dma_semaphore, #tpu.memory_space<semaphore_mem>>) src(%dma_wait3A_57 : memref<1024xi32, #tpu.memory_space<hbm>>) dst(%arg25 : memref<1024xi32, #tpu.memory_space<vmem>>)
      tpu.yield
    }) : () -> ()
    "tpu.region"() ({
      %run_scoped3A = tpu.sem_alloc : memref<!tpu.dma_semaphore, #tpu.memory_space<semaphore_mem>>
      %dma_start3A = tpu.memref_slice %arg14[%mul3A_40] : memref<4096xf32, #tpu.memory_space<hbm>> -> memref<1024xf32, #tpu.memory_space<hbm>>
      %dma_start3A_56 = tpu.memref_slice %arg14[%mul3A_40] : memref<4096xf32, #tpu.memory_space<hbm>> -> memref<1024xf32, #tpu.memory_space<hbm>>
      tpu.enqueue_dma source(%dma_start3A_56 : memref<1024xf32, #tpu.memory_space<hbm>>) target(%arg32 : memref<1024xf32, #tpu.memory_space<vmem>>) target_semaphore(%run_scoped3A : memref<!tpu.dma_semaphore, #tpu.memory_space<semaphore_mem>>)
      %dma_wait3A = tpu.memref_slice %arg14[%mul3A_40] : memref<4096xf32, #tpu.memory_space<hbm>> -> memref<1024xf32, #tpu.memory_space<hbm>>
      %dma_wait3A_57 = tpu.memref_slice %arg14[%mul3A_40] : memref<4096xf32, #tpu.memory_space<hbm>> -> memref<1024xf32, #tpu.memory_space<hbm>>
      tpu.wait_dma2 semaphore(%run_scoped3A : memref<!tpu.dma_semaphore, #tpu.memory_space<semaphore_mem>>) src(%dma_wait3A_57 : memref<1024xf32, #tpu.memory_space<hbm>>) dst(%arg32 : memref<1024xf32, #tpu.memory_space<vmem>>)
      tpu.yield
    }) : () -> ()
    %mul3A_41 = arith.constant 16 : i32
    %mul3A_42 = arith.muli %mul3A_32, %mul3A_41 : i32
    "tpu.region"() ({
      %run_scoped3A = tpu.sem_alloc : memref<!tpu.dma_semaphore, #tpu.memory_space<semaphore_mem>>
      %dma_start3A = tpu.memref_slice %arg8[%mul3A_42] : memref<8192xi32, #tpu.memory_space<hbm>> -> memref<2048xi32, #tpu.memory_space<hbm>>
      %dma_start3A_56 = tpu.memref_slice %arg8[%mul3A_42] : memref<8192xi32, #tpu.memory_space<hbm>> -> memref<2048xi32, #tpu.memory_space<hbm>>
      tpu.enqueue_dma source(%dma_start3A_56 : memref<2048xi32, #tpu.memory_space<hbm>>) target(%arg26 : memref<2048xi32, #tpu.memory_space<vmem>>) target_semaphore(%run_scoped3A : memref<!tpu.dma_semaphore, #tpu.memory_space<semaphore_mem>>)
      %dma_wait3A = tpu.memref_slice %arg8[%mul3A_42] : memref<8192xi32, #tpu.memory_space<hbm>> -> memref<2048xi32, #tpu.memory_space<hbm>>
      %dma_wait3A_57 = tpu.memref_slice %arg8[%mul3A_42] : memref<8192xi32, #tpu.memory_space<hbm>> -> memref<2048xi32, #tpu.memory_space<hbm>>
      tpu.wait_dma2 semaphore(%run_scoped3A : memref<!tpu.dma_semaphore, #tpu.memory_space<semaphore_mem>>) src(%dma_wait3A_57 : memref<2048xi32, #tpu.memory_space<hbm>>) dst(%arg26 : memref<2048xi32, #tpu.memory_space<vmem>>)
      tpu.yield
    }) : () -> ()
    "tpu.region"() ({
      %run_scoped3A = tpu.sem_alloc : memref<!tpu.dma_semaphore, #tpu.memory_space<semaphore_mem>>
      %dma_start3A = tpu.memref_slice %arg15[%mul3A_42] : memref<8192xf32, #tpu.memory_space<hbm>> -> memref<2048xf32, #tpu.memory_space<hbm>>
      %dma_start3A_56 = tpu.memref_slice %arg15[%mul3A_42] : memref<8192xf32, #tpu.memory_space<hbm>> -> memref<2048xf32, #tpu.memory_space<hbm>>
      tpu.enqueue_dma source(%dma_start3A_56 : memref<2048xf32, #tpu.memory_space<hbm>>) target(%arg33 : memref<2048xf32, #tpu.memory_space<vmem>>) target_semaphore(%run_scoped3A : memref<!tpu.dma_semaphore, #tpu.memory_space<semaphore_mem>>)
      %dma_wait3A = tpu.memref_slice %arg15[%mul3A_42] : memref<8192xf32, #tpu.memory_space<hbm>> -> memref<2048xf32, #tpu.memory_space<hbm>>
      %dma_wait3A_57 = tpu.memref_slice %arg15[%mul3A_42] : memref<8192xf32, #tpu.memory_space<hbm>> -> memref<2048xf32, #tpu.memory_space<hbm>>
      tpu.wait_dma2 semaphore(%run_scoped3A : memref<!tpu.dma_semaphore, #tpu.memory_space<semaphore_mem>>) src(%dma_wait3A_57 : memref<2048xf32, #tpu.memory_space<hbm>>) dst(%arg33 : memref<2048xf32, #tpu.memory_space<vmem>>)
      tpu.yield
    }) : () -> ()
    %mul3A_43 = arith.constant 32 : i32
    %mul3A_44 = arith.muli %mul3A_32, %mul3A_43 : i32
    "tpu.region"() ({
      %run_scoped3A = tpu.sem_alloc : memref<!tpu.dma_semaphore, #tpu.memory_space<semaphore_mem>>
      %dma_start3A = tpu.memref_slice %arg9[%mul3A_44] : memref<16384xi32, #tpu.memory_space<hbm>> -> memref<4096xi32, #tpu.memory_space<hbm>>
      %dma_start3A_56 = tpu.memref_slice %arg9[%mul3A_44] : memref<16384xi32, #tpu.memory_space<hbm>> -> memref<4096xi32, #tpu.memory_space<hbm>>
      tpu.enqueue_dma source(%dma_start3A_56 : memref<4096xi32, #tpu.memory_space<hbm>>) target(%arg27 : memref<4096xi32, #tpu.memory_space<vmem>>) target_semaphore(%run_scoped3A : memref<!tpu.dma_semaphore, #tpu.memory_space<semaphore_mem>>)
      %dma_wait3A = tpu.memref_slice %arg9[%mul3A_44] : memref<16384xi32, #tpu.memory_space<hbm>> -> memref<4096xi32, #tpu.memory_space<hbm>>
      %dma_wait3A_57 = tpu.memref_slice %arg9[%mul3A_44] : memref<16384xi32, #tpu.memory_space<hbm>> -> memref<4096xi32, #tpu.memory_space<hbm>>
      tpu.wait_dma2 semaphore(%run_scoped3A : memref<!tpu.dma_semaphore, #tpu.memory_space<semaphore_mem>>) src(%dma_wait3A_57 : memref<4096xi32, #tpu.memory_space<hbm>>) dst(%arg27 : memref<4096xi32, #tpu.memory_space<vmem>>)
      tpu.yield
    }) : () -> ()
    "tpu.region"() ({
      %run_scoped3A = tpu.sem_alloc : memref<!tpu.dma_semaphore, #tpu.memory_space<semaphore_mem>>
      %dma_start3A = tpu.memref_slice %arg16[%mul3A_44] : memref<16384xf32, #tpu.memory_space<hbm>> -> memref<4096xf32, #tpu.memory_space<hbm>>
      %dma_start3A_56 = tpu.memref_slice %arg16[%mul3A_44] : memref<16384xf32, #tpu.memory_space<hbm>> -> memref<4096xf32, #tpu.memory_space<hbm>>
      tpu.enqueue_dma source(%dma_start3A_56 : memref<4096xf32, #tpu.memory_space<hbm>>) target(%arg34 : memref<4096xf32, #tpu.memory_space<vmem>>) target_semaphore(%run_scoped3A : memref<!tpu.dma_semaphore, #tpu.memory_space<semaphore_mem>>)
      %dma_wait3A = tpu.memref_slice %arg16[%mul3A_44] : memref<16384xf32, #tpu.memory_space<hbm>> -> memref<4096xf32, #tpu.memory_space<hbm>>
      %dma_wait3A_57 = tpu.memref_slice %arg16[%mul3A_44] : memref<16384xf32, #tpu.memory_space<hbm>> -> memref<4096xf32, #tpu.memory_space<hbm>>
      tpu.wait_dma2 semaphore(%run_scoped3A : memref<!tpu.dma_semaphore, #tpu.memory_space<semaphore_mem>>) src(%dma_wait3A_57 : memref<4096xf32, #tpu.memory_space<hbm>>) dst(%arg34 : memref<4096xf32, #tpu.memory_space<vmem>>)
      tpu.yield
    }) : () -> ()
    %mul3A_45 = arith.constant 64 : i32
    %mul3A_46 = arith.muli %mul3A_32, %mul3A_45 : i32
    "tpu.region"() ({
      %run_scoped3A = tpu.sem_alloc : memref<!tpu.dma_semaphore, #tpu.memory_space<semaphore_mem>>
      %dma_start3A = tpu.memref_slice %arg10[%mul3A_46] : memref<32768xi32, #tpu.memory_space<hbm>> -> memref<8192xi32, #tpu.memory_space<hbm>>
      %dma_start3A_56 = tpu.memref_slice %arg10[%mul3A_46] : memref<32768xi32, #tpu.memory_space<hbm>> -> memref<8192xi32, #tpu.memory_space<hbm>>
      tpu.enqueue_dma source(%dma_start3A_56 : memref<8192xi32, #tpu.memory_space<hbm>>) target(%arg28 : memref<8192xi32, #tpu.memory_space<vmem>>) target_semaphore(%run_scoped3A : memref<!tpu.dma_semaphore, #tpu.memory_space<semaphore_mem>>)
      %dma_wait3A = tpu.memref_slice %arg10[%mul3A_46] : memref<32768xi32, #tpu.memory_space<hbm>> -> memref<8192xi32, #tpu.memory_space<hbm>>
      %dma_wait3A_57 = tpu.memref_slice %arg10[%mul3A_46] : memref<32768xi32, #tpu.memory_space<hbm>> -> memref<8192xi32, #tpu.memory_space<hbm>>
      tpu.wait_dma2 semaphore(%run_scoped3A : memref<!tpu.dma_semaphore, #tpu.memory_space<semaphore_mem>>) src(%dma_wait3A_57 : memref<8192xi32, #tpu.memory_space<hbm>>) dst(%arg28 : memref<8192xi32, #tpu.memory_space<vmem>>)
      tpu.yield
    }) : () -> ()
    "tpu.region"() ({
      %run_scoped3A = tpu.sem_alloc : memref<!tpu.dma_semaphore, #tpu.memory_space<semaphore_mem>>
      %dma_start3A = tpu.memref_slice %arg17[%mul3A_46] : memref<32768xf32, #tpu.memory_space<hbm>> -> memref<8192xf32, #tpu.memory_space<hbm>>
      %dma_start3A_56 = tpu.memref_slice %arg17[%mul3A_46] : memref<32768xf32, #tpu.memory_space<hbm>> -> memref<8192xf32, #tpu.memory_space<hbm>>
      tpu.enqueue_dma source(%dma_start3A_56 : memref<8192xf32, #tpu.memory_space<hbm>>) target(%arg35 : memref<8192xf32, #tpu.memory_space<vmem>>) target_semaphore(%run_scoped3A : memref<!tpu.dma_semaphore, #tpu.memory_space<semaphore_mem>>)
      %dma_wait3A = tpu.memref_slice %arg17[%mul3A_46] : memref<32768xf32, #tpu.memory_space<hbm>> -> memref<8192xf32, #tpu.memory_space<hbm>>
      %dma_wait3A_57 = tpu.memref_slice %arg17[%mul3A_46] : memref<32768xf32, #tpu.memory_space<hbm>> -> memref<8192xf32, #tpu.memory_space<hbm>>
      tpu.wait_dma2 semaphore(%run_scoped3A : memref<!tpu.dma_semaphore, #tpu.memory_space<semaphore_mem>>) src(%dma_wait3A_57 : memref<8192xf32, #tpu.memory_space<hbm>>) dst(%arg35 : memref<8192xf32, #tpu.memory_space<vmem>>)
      tpu.yield
    }) : () -> ()
    %mul3A_47 = arith.constant 128 : i32
    %mul3A_48 = arith.muli %mul3A_32, %mul3A_47 : i32
    "tpu.region"() ({
      %run_scoped3A = tpu.sem_alloc : memref<!tpu.dma_semaphore, #tpu.memory_space<semaphore_mem>>
      %dma_start3A = tpu.memref_slice %arg11[%mul3A_48] : memref<65536xi32, #tpu.memory_space<hbm>> -> memref<16384xi32, #tpu.memory_space<hbm>>
      %dma_start3A_56 = tpu.memref_slice %arg11[%mul3A_48] : memref<65536xi32, #tpu.memory_space<hbm>> -> memref<16384xi32, #tpu.memory_space<hbm>>
      tpu.enqueue_dma source(%dma_start3A_56 : memref<16384xi32, #tpu.memory_space<hbm>>) target(%arg29 : memref<16384xi32, #tpu.memory_space<vmem>>) target_semaphore(%run_scoped3A : memref<!tpu.dma_semaphore, #tpu.memory_space<semaphore_mem>>)
      %dma_wait3A = tpu.memref_slice %arg11[%mul3A_48] : memref<65536xi32, #tpu.memory_space<hbm>> -> memref<16384xi32, #tpu.memory_space<hbm>>
      %dma_wait3A_57 = tpu.memref_slice %arg11[%mul3A_48] : memref<65536xi32, #tpu.memory_space<hbm>> -> memref<16384xi32, #tpu.memory_space<hbm>>
      tpu.wait_dma2 semaphore(%run_scoped3A : memref<!tpu.dma_semaphore, #tpu.memory_space<semaphore_mem>>) src(%dma_wait3A_57 : memref<16384xi32, #tpu.memory_space<hbm>>) dst(%arg29 : memref<16384xi32, #tpu.memory_space<vmem>>)
      tpu.yield
    }) : () -> ()
    "tpu.region"() ({
      %run_scoped3A = tpu.sem_alloc : memref<!tpu.dma_semaphore, #tpu.memory_space<semaphore_mem>>
      %dma_start3A = tpu.memref_slice %arg18[%mul3A_48] : memref<65536xf32, #tpu.memory_space<hbm>> -> memref<16384xf32, #tpu.memory_space<hbm>>
      %dma_start3A_56 = tpu.memref_slice %arg18[%mul3A_48] : memref<65536xf32, #tpu.memory_space<hbm>> -> memref<16384xf32, #tpu.memory_space<hbm>>
      tpu.enqueue_dma source(%dma_start3A_56 : memref<16384xf32, #tpu.memory_space<hbm>>) target(%arg36 : memref<16384xf32, #tpu.memory_space<vmem>>) target_semaphore(%run_scoped3A : memref<!tpu.dma_semaphore, #tpu.memory_space<semaphore_mem>>)
      %dma_wait3A = tpu.memref_slice %arg18[%mul3A_48] : memref<65536xf32, #tpu.memory_space<hbm>> -> memref<16384xf32, #tpu.memory_space<hbm>>
      %dma_wait3A_57 = tpu.memref_slice %arg18[%mul3A_48] : memref<65536xf32, #tpu.memory_space<hbm>> -> memref<16384xf32, #tpu.memory_space<hbm>>
      tpu.wait_dma2 semaphore(%run_scoped3A : memref<!tpu.dma_semaphore, #tpu.memory_space<semaphore_mem>>) src(%dma_wait3A_57 : memref<16384xf32, #tpu.memory_space<hbm>>) dst(%arg36 : memref<16384xf32, #tpu.memory_space<vmem>>)
      tpu.yield
    }) : () -> ()
    %mul3A_49 = arith.constant 256 : i32
    %mul3A_50 = arith.muli %mul3A_32, %mul3A_49 : i32
    "tpu.region"() ({
      %run_scoped3A = tpu.sem_alloc : memref<!tpu.dma_semaphore, #tpu.memory_space<semaphore_mem>>
      %dma_start3A = tpu.memref_slice %arg19[%mul3A_50] : memref<131072xf32, #tpu.memory_space<hbm>> -> memref<32768xf32, #tpu.memory_space<hbm>>
      %dma_start3A_56 = tpu.memref_slice %arg19[%mul3A_50] : memref<131072xf32, #tpu.memory_space<hbm>> -> memref<32768xf32, #tpu.memory_space<hbm>>
      tpu.enqueue_dma source(%dma_start3A_56 : memref<32768xf32, #tpu.memory_space<hbm>>) target(%arg37 : memref<32768xf32, #tpu.memory_space<vmem>>) target_semaphore(%run_scoped3A : memref<!tpu.dma_semaphore, #tpu.memory_space<semaphore_mem>>)
      %dma_wait3A = tpu.memref_slice %arg19[%mul3A_50] : memref<131072xf32, #tpu.memory_space<hbm>> -> memref<32768xf32, #tpu.memory_space<hbm>>
      %dma_wait3A_57 = tpu.memref_slice %arg19[%mul3A_50] : memref<131072xf32, #tpu.memory_space<hbm>> -> memref<32768xf32, #tpu.memory_space<hbm>>
      tpu.wait_dma2 semaphore(%run_scoped3A : memref<!tpu.dma_semaphore, #tpu.memory_space<semaphore_mem>>) src(%dma_wait3A_57 : memref<32768xf32, #tpu.memory_space<hbm>>) dst(%arg37 : memref<32768xf32, #tpu.memory_space<vmem>>)
      tpu.yield
    }) : () -> ()
    %iota3A = tpu.iota {dimensions = array<i32: 0>} : vector<16xi32>
    %scan3A = arith.constant 0 : i32
    %scan3A_51 = arith.constant 0 : i32
    %scan3A_52 = arith.constant 64 : i32
    %scan3A_53 = arith.addi %scan3A_51, %scan3A_52 : i32
    %scan3A_54 = arith.constant 1 : i32
    scf.for %scan3A_56 = %scan3A_51 to %scan3A_53 step %scan3A_54  : i32 {
      %mul3A_57 = arith.constant 32 : i32
      %mul3A_58 = arith.muli %scan3A_56, %mul3A_57 : i32
      %add3A_59 = arith.addi %mul3A_34, %mul3A_58 : i32
      "tpu.region"() ({
        %run_scoped3A = tpu.sem_alloc : memref<!tpu.dma_semaphore, #tpu.memory_space<semaphore_mem>>
        %dma_start3A = arith.constant 0 : i32
        %dma_start3A_66 = tpu.memref_slice %arg2[%add3A_59, %dma_start3A] : memref<16384x256xf32, #tpu.memory_space<hbm>> -> memref<32x256xf32, #tpu.memory_space<hbm>>
        %dma_start3A_67 = arith.constant 0 : i32
        %dma_start3A_68 = tpu.memref_slice %arg2[%add3A_59, %dma_start3A_67] : memref<16384x256xf32, #tpu.memory_space<hbm>> -> memref<32x256xf32, #tpu.memory_space<hbm>>
        tpu.enqueue_dma source(%dma_start3A_68 : memref<32x256xf32, #tpu.memory_space<hbm>>) target(%arg38 : memref<32x256xf32, #tpu.memory_space<vmem>>) target_semaphore(%run_scoped3A : memref<!tpu.dma_semaphore, #tpu.memory_space<semaphore_mem>>)
        %dma_wait3A = arith.constant 0 : i32
        %dma_wait3A_69 = tpu.memref_slice %arg2[%add3A_59, %dma_wait3A] : memref<16384x256xf32, #tpu.memory_space<hbm>> -> memref<32x256xf32, #tpu.memory_space<hbm>>
        %dma_wait3A_70 = arith.constant 0 : i32
        %dma_wait3A_71 = tpu.memref_slice %arg2[%add3A_59, %dma_wait3A_70] : memref<16384x256xf32, #tpu.memory_space<hbm>> -> memref<32x256xf32, #tpu.memory_space<hbm>>
        tpu.wait_dma2 semaphore(%run_scoped3A : memref<!tpu.dma_semaphore, #tpu.memory_space<semaphore_mem>>) src(%dma_wait3A_71 : memref<32x256xf32, #tpu.memory_space<hbm>>) dst(%arg38 : memref<32x256xf32, #tpu.memory_space<vmem>>)
        tpu.yield
      }) : () -> ()
      %scan3A_60 = arith.constant 0 : i32
      %scan3A_61 = arith.constant 0 : i32
      %scan3A_62 = arith.constant 32 : i32
      %scan3A_63 = arith.addi %scan3A_61, %scan3A_62 : i32
      %scan3A_64 = arith.constant 1 : i32
      scf.for %scan3A_66 = %scan3A_61 to %scan3A_63 step %scan3A_64  : i32 {
        %broadcast_in_dim3A = vector.broadcast %scan3A_66 : i32 to vector<16xi32>
        %add3A_67 = arith.constant 0 : i32
        %add3A_68 = vector.broadcast %add3A_67 : i32 to vector<16xi32>
        %add3A_69 = arith.addi %add3A_68, %iota3A : vector<16xi32>
        %get3A = arith.constant 0 : index
        %get3A_70 = tpu.vector_load %arg21[%get3A] {strides = array<i32>} : memref<128xi32, #tpu.memory_space<vmem>>, vector<16xi32>,
        %get3A_71 = arith.constant 0 : index
        %get3A_72 = tpu.vector_load %arg22[%get3A_71] {strides = array<i32>} : memref<128xf32, #tpu.memory_space<vmem>>, vector<16xf32>,
        %gather3A = tpu.vector_load_idx %arg38[%broadcast_in_dim3A, %get3A_70] : memref<32x256xf32, #tpu.memory_space<vmem>>[vector<16xi32>, vector<16xi32>], vector<16xf32>,
        %mul3A_73 = arith.constant 2 : i32
        %mul3A_74 = vector.broadcast %mul3A_73 : i32 to vector<16xi32>
        %mul3A_75 = arith.muli %mul3A_74, %add3A_69 : vector<16xi32>
        %ge3A = arith.cmpf oge, %gather3A, %get3A_72 : vector<16xf32>
        %convert_element_type3A = arith.extui %ge3A : vector<16xi1> to vector<16xi32>
        %add3A_76 = arith.addi %mul3A_75, %convert_element_type3A : vector<16xi32>
        %gather3A_77 = tpu.vector_load_idx %arg23[%add3A_76] : memref<256xi32, #tpu.memory_space<vmem>>[vector<16xi32>], vector<16xi32>,
        %gather3A_78 = tpu.vector_load_idx %arg30[%add3A_76] : memref<256xf32, #tpu.memory_space<vmem>>[vector<16xi32>], vector<16xf32>,
        %gather3A_79 = tpu.vector_load_idx %arg38[%broadcast_in_dim3A, %gather3A_77] : memref<32x256xf32, #tpu.memory_space<vmem>>[vector<16xi32>, vector<16xi32>], vector<16xf32>,
        %mul3A_80 = arith.constant 2 : i32
        %mul3A_81 = vector.broadcast %mul3A_80 : i32 to vector<16xi32>
        %mul3A_82 = arith.muli %mul3A_81, %add3A_76 : vector<16xi32>
        %ge3A_83 = arith.cmpf oge, %gather3A_79, %gather3A_78 : vector<16xf32>
        %convert_element_type3A_84 = arith.extui %ge3A_83 : vector<16xi1> to vector<16xi32>
        %add3A_85 = arith.addi %mul3A_82, %convert_element_type3A_84 : vector<16xi32>
        %gather3A_86 = tpu.vector_load_idx %arg24[%add3A_85] : memref<512xi32, #tpu.memory_space<vmem>>[vector<16xi32>], vector<16xi32>,
        %gather3A_87 = tpu.vector_load_idx %arg31[%add3A_85] : memref<512xf32, #tpu.memory_space<vmem>>[vector<16xi32>], vector<16xf32>,
        %gather3A_88 = tpu.vector_load_idx %arg38[%broadcast_in_dim3A, %gather3A_86] : memref<32x256xf32, #tpu.memory_space<vmem>>[vector<16xi32>, vector<16xi32>], vector<16xf32>,
        %mul3A_89 = arith.constant 2 : i32
        %mul3A_90 = vector.broadcast %mul3A_89 : i32 to vector<16xi32>
        %mul3A_91 = arith.muli %mul3A_90, %add3A_85 : vector<16xi32>
        %ge3A_92 = arith.cmpf oge, %gather3A_88, %gather3A_87 : vector<16xf32>
        %convert_element_type3A_93 = arith.extui %ge3A_92 : vector<16xi1> to vector<16xi32>
        %add3A_94 = arith.addi %mul3A_91, %convert_element_type3A_93 : vector<16xi32>
        %gather3A_95 = tpu.vector_load_idx %arg25[%add3A_94] : memref<1024xi32, #tpu.memory_space<vmem>>[vector<16xi32>], vector<16xi32>,
        %gather3A_96 = tpu.vector_load_idx %arg32[%add3A_94] : memref<1024xf32, #tpu.memory_space<vmem>>[vector<16xi32>], vector<16xf32>,
        %gather3A_97 = tpu.vector_load_idx %arg38[%broadcast_in_dim3A, %gather3A_95] : memref<32x256xf32, #tpu.memory_space<vmem>>[vector<16xi32>, vector<16xi32>], vector<16xf32>,
        %mul3A_98 = arith.constant 2 : i32
        %mul3A_99 = vector.broadcast %mul3A_98 : i32 to vector<16xi32>
        %mul3A_100 = arith.muli %mul3A_99, %add3A_94 : vector<16xi32>
        %ge3A_101 = arith.cmpf oge, %gather3A_97, %gather3A_96 : vector<16xf32>
        %convert_element_type3A_102 = arith.extui %ge3A_101 : vector<16xi1> to vector<16xi32>
        %add3A_103 = arith.addi %mul3A_100, %convert_element_type3A_102 : vector<16xi32>
        %gather3A_104 = tpu.vector_load_idx %arg26[%add3A_103] : memref<2048xi32, #tpu.memory_space<vmem>>[vector<16xi32>], vector<16xi32>,
        %gather3A_105 = tpu.vector_load_idx %arg33[%add3A_103] : memref<2048xf32, #tpu.memory_space<vmem>>[vector<16xi32>], vector<16xf32>,
        %gather3A_106 = tpu.vector_load_idx %arg38[%broadcast_in_dim3A, %gather3A_104] : memref<32x256xf32, #tpu.memory_space<vmem>>[vector<16xi32>, vector<16xi32>], vector<16xf32>,
        %mul3A_107 = arith.constant 2 : i32
        %mul3A_108 = vector.broadcast %mul3A_107 : i32 to vector<16xi32>
        %mul3A_109 = arith.muli %mul3A_108, %add3A_103 : vector<16xi32>
        %ge3A_110 = arith.cmpf oge, %gather3A_106, %gather3A_105 : vector<16xf32>
        %convert_element_type3A_111 = arith.extui %ge3A_110 : vector<16xi1> to vector<16xi32>
        %add3A_112 = arith.addi %mul3A_109, %convert_element_type3A_111 : vector<16xi32>
        %gather3A_113 = tpu.vector_load_idx %arg27[%add3A_112] : memref<4096xi32, #tpu.memory_space<vmem>>[vector<16xi32>], vector<16xi32>,
        %gather3A_114 = tpu.vector_load_idx %arg34[%add3A_112] : memref<4096xf32, #tpu.memory_space<vmem>>[vector<16xi32>], vector<16xf32>,
        %gather3A_115 = tpu.vector_load_idx %arg38[%broadcast_in_dim3A, %gather3A_113] : memref<32x256xf32, #tpu.memory_space<vmem>>[vector<16xi32>, vector<16xi32>], vector<16xf32>,
        %mul3A_116 = arith.constant 2 : i32
        %mul3A_117 = vector.broadcast %mul3A_116 : i32 to vector<16xi32>
        %mul3A_118 = arith.muli %mul3A_117, %add3A_112 : vector<16xi32>
        %ge3A_119 = arith.cmpf oge, %gather3A_115, %gather3A_114 : vector<16xf32>
        %convert_element_type3A_120 = arith.extui %ge3A_119 : vector<16xi1> to vector<16xi32>
        %add3A_121 = arith.addi %mul3A_118, %convert_element_type3A_120 : vector<16xi32>
        %gather3A_122 = tpu.vector_load_idx %arg28[%add3A_121] : memref<8192xi32, #tpu.memory_space<vmem>>[vector<16xi32>], vector<16xi32>,
        %gather3A_123 = tpu.vector_load_idx %arg35[%add3A_121] : memref<8192xf32, #tpu.memory_space<vmem>>[vector<16xi32>], vector<16xf32>,
        %gather3A_124 = tpu.vector_load_idx %arg38[%broadcast_in_dim3A, %gather3A_122] : memref<32x256xf32, #tpu.memory_space<vmem>>[vector<16xi32>, vector<16xi32>], vector<16xf32>,
        %mul3A_125 = arith.constant 2 : i32
        %mul3A_126 = vector.broadcast %mul3A_125 : i32 to vector<16xi32>
        %mul3A_127 = arith.muli %mul3A_126, %add3A_121 : vector<16xi32>
        %ge3A_128 = arith.cmpf oge, %gather3A_124, %gather3A_123 : vector<16xf32>
        %convert_element_type3A_129 = arith.extui %ge3A_128 : vector<16xi1> to vector<16xi32>
        %add3A_130 = arith.addi %mul3A_127, %convert_element_type3A_129 : vector<16xi32>
        %gather3A_131 = tpu.vector_load_idx %arg29[%add3A_130] : memref<16384xi32, #tpu.memory_space<vmem>>[vector<16xi32>], vector<16xi32>,
        %gather3A_132 = tpu.vector_load_idx %arg36[%add3A_130] : memref<16384xf32, #tpu.memory_space<vmem>>[vector<16xi32>], vector<16xf32>,
        %gather3A_133 = tpu.vector_load_idx %arg38[%broadcast_in_dim3A, %gather3A_131] : memref<32x256xf32, #tpu.memory_space<vmem>>[vector<16xi32>, vector<16xi32>], vector<16xf32>,
        %mul3A_134 = arith.constant 2 : i32
        %mul3A_135 = vector.broadcast %mul3A_134 : i32 to vector<16xi32>
        %mul3A_136 = arith.muli %mul3A_135, %add3A_130 : vector<16xi32>
        %ge3A_137 = arith.cmpf oge, %gather3A_133, %gather3A_132 : vector<16xf32>
        %convert_element_type3A_138 = arith.extui %ge3A_137 : vector<16xi1> to vector<16xi32>
        %add3A_139 = arith.addi %mul3A_136, %convert_element_type3A_138 : vector<16xi32>
        %gather3A_140 = tpu.vector_load_idx %arg37[%add3A_139] : memref<32768xf32, #tpu.memory_space<vmem>>[vector<16xi32>], vector<16xf32>,
        %swap3A = arith.index_cast %scan3A_66 : i32 to index
        %swap3A_141 = arith.constant 0 : index
        %swap3A_142 = tpu.vector_load %arg39[%swap3A, %swap3A_141] {strides = array<i32>} : memref<32x128xf32, #tpu.memory_space<vmem>>, vector<16xf32>,
        tpu.vector_store %arg39[%swap3A, %swap3A_141], %gather3A_140 {strides = array<i32>} : memref<32x128xf32, #tpu.memory_space<vmem>>, vector<16xf32>,
        %add3A_143 = arith.constant 16 : i32
        %add3A_144 = vector.broadcast %add3A_143 : i32 to vector<16xi32>
        %add3A_145 = arith.addi %add3A_144, %iota3A : vector<16xi32>
        %get3A_146 = arith.constant 16 : index
        %get3A_147 = tpu.vector_load %arg21[%get3A_146] {strides = array<i32>} : memref<128xi32, #tpu.memory_space<vmem>>, vector<16xi32>,
        %get3A_148 = arith.constant 16 : index
        %get3A_149 = tpu.vector_load %arg22[%get3A_148] {strides = array<i32>} : memref<128xf32, #tpu.memory_space<vmem>>, vector<16xf32>,
        %gather3A_150 = tpu.vector_load_idx %arg38[%broadcast_in_dim3A, %get3A_147] : memref<32x256xf32, #tpu.memory_space<vmem>>[vector<16xi32>, vector<16xi32>], vector<16xf32>,
        %mul3A_151 = arith.constant 2 : i32
        %mul3A_152 = vector.broadcast %mul3A_151 : i32 to vector<16xi32>
        %mul3A_153 = arith.muli %mul3A_152, %add3A_145 : vector<16xi32>
        %ge3A_154 = arith.cmpf oge, %gather3A_150, %get3A_149 : vector<16xf32>
        %convert_element_type3A_155 = arith.extui %ge3A_154 : vector<16xi1> to vector<16xi32>
        %add3A_156 = arith.addi %mul3A_153, %convert_element_type3A_155 : vector<16xi32>
        %gather3A_157 = tpu.vector_load_idx %arg23[%add3A_156] : memref<256xi32, #tpu.memory_space<vmem>>[vector<16xi32>], vector<16xi32>,
        %gather3A_158 = tpu.vector_load_idx %arg30[%add3A_156] : memref<256xf32, #tpu.memory_space<vmem>>[vector<16xi32>], vector<16xf32>,
        %gather3A_159 = tpu.vector_load_idx %arg38[%broadcast_in_dim3A, %gather3A_157] : memref<32x256xf32, #tpu.memory_space<vmem>>[vector<16xi32>, vector<16xi32>], vector<16xf32>,
        %mul3A_160 = arith.constant 2 : i32
        %mul3A_161 = vector.broadcast %mul3A_160 : i32 to vector<16xi32>
        %mul3A_162 = arith.muli %mul3A_161, %add3A_156 : vector<16xi32>
        %ge3A_163 = arith.cmpf oge, %gather3A_159, %gather3A_158 : vector<16xf32>
        %convert_element_type3A_164 = arith.extui %ge3A_163 : vector<16xi1> to vector<16xi32>
        %add3A_165 = arith.addi %mul3A_162, %convert_element_type3A_164 : vector<16xi32>
        %gather3A_166 = tpu.vector_load_idx %arg24[%add3A_165] : memref<512xi32, #tpu.memory_space<vmem>>[vector<16xi32>], vector<16xi32>,
        %gather3A_167 = tpu.vector_load_idx %arg31[%add3A_165] : memref<512xf32, #tpu.memory_space<vmem>>[vector<16xi32>], vector<16xf32>,
        %gather3A_168 = tpu.vector_load_idx %arg38[%broadcast_in_dim3A, %gather3A_166] : memref<32x256xf32, #tpu.memory_space<vmem>>[vector<16xi32>, vector<16xi32>], vector<16xf32>,
        %mul3A_169 = arith.constant 2 : i32
        %mul3A_170 = vector.broadcast %mul3A_169 : i32 to vector<16xi32>
        %mul3A_171 = arith.muli %mul3A_170, %add3A_165 : vector<16xi32>
        %ge3A_172 = arith.cmpf oge, %gather3A_168, %gather3A_167 : vector<16xf32>
        %convert_element_type3A_173 = arith.extui %ge3A_172 : vector<16xi1> to vector<16xi32>
        %add3A_174 = arith.addi %mul3A_171, %convert_element_type3A_173 : vector<16xi32>
        %gather3A_175 = tpu.vector_load_idx %arg25[%add3A_174] : memref<1024xi32, #tpu.memory_space<vmem>>[vector<16xi32>], vector<16xi32>,
        %gather3A_176 = tpu.vector_load_idx %arg32[%add3A_174] : memref<1024xf32, #tpu.memory_space<vmem>>[vector<16xi32>], vector<16xf32>,
        %gather3A_177 = tpu.vector_load_idx %arg38[%broadcast_in_dim3A, %gather3A_175] : memref<32x256xf32, #tpu.memory_space<vmem>>[vector<16xi32>, vector<16xi32>], vector<16xf32>,
        %mul3A_178 = arith.constant 2 : i32
        %mul3A_179 = vector.broadcast %mul3A_178 : i32 to vector<16xi32>
        %mul3A_180 = arith.muli %mul3A_179, %add3A_174 : vector<16xi32>
        %ge3A_181 = arith.cmpf oge, %gather3A_177, %gather3A_176 : vector<16xf32>
        %convert_element_type3A_182 = arith.extui %ge3A_181 : vector<16xi1> to vector<16xi32>
        %add3A_183 = arith.addi %mul3A_180, %convert_element_type3A_182 : vector<16xi32>
        %gather3A_184 = tpu.vector_load_idx %arg26[%add3A_183] : memref<2048xi32, #tpu.memory_space<vmem>>[vector<16xi32>], vector<16xi32>,
        %gather3A_185 = tpu.vector_load_idx %arg33[%add3A_183] : memref<2048xf32, #tpu.memory_space<vmem>>[vector<16xi32>], vector<16xf32>,
        %gather3A_186 = tpu.vector_load_idx %arg38[%broadcast_in_dim3A, %gather3A_184] : memref<32x256xf32, #tpu.memory_space<vmem>>[vector<16xi32>, vector<16xi32>], vector<16xf32>,
        %mul3A_187 = arith.constant 2 : i32
        %mul3A_188 = vector.broadcast %mul3A_187 : i32 to vector<16xi32>
        %mul3A_189 = arith.muli %mul3A_188, %add3A_183 : vector<16xi32>
        %ge3A_190 = arith.cmpf oge, %gather3A_186, %gather3A_185 : vector<16xf32>
        %convert_element_type3A_191 = arith.extui %ge3A_190 : vector<16xi1> to vector<16xi32>
        %add3A_192 = arith.addi %mul3A_189, %convert_element_type3A_191 : vector<16xi32>
        %gather3A_193 = tpu.vector_load_idx %arg27[%add3A_192] : memref<4096xi32, #tpu.memory_space<vmem>>[vector<16xi32>], vector<16xi32>,
        %gather3A_194 = tpu.vector_load_idx %arg34[%add3A_192] : memref<4096xf32, #tpu.memory_space<vmem>>[vector<16xi32>], vector<16xf32>,
        %gather3A_195 = tpu.vector_load_idx %arg38[%broadcast_in_dim3A, %gather3A_193] : memref<32x256xf32, #tpu.memory_space<vmem>>[vector<16xi32>, vector<16xi32>], vector<16xf32>,
        %mul3A_196 = arith.constant 2 : i32
        %mul3A_197 = vector.broadcast %mul3A_196 : i32 to vector<16xi32>
        %mul3A_198 = arith.muli %mul3A_197, %add3A_192 : vector<16xi32>
        %ge3A_199 = arith.cmpf oge, %gather3A_195, %gather3A_194 : vector<16xf32>
        %convert_element_type3A_200 = arith.extui %ge3A_199 : vector<16xi1> to vector<16xi32>
        %add3A_201 = arith.addi %mul3A_198, %convert_element_type3A_200 : vector<16xi32>
        %gather3A_202 = tpu.vector_load_idx %arg28[%add3A_201] : memref<8192xi32, #tpu.memory_space<vmem>>[vector<16xi32>], vector<16xi32>,
        %gather3A_203 = tpu.vector_load_idx %arg35[%add3A_201] : memref<8192xf32, #tpu.memory_space<vmem>>[vector<16xi32>], vector<16xf32>,
        %gather3A_204 = tpu.vector_load_idx %arg38[%broadcast_in_dim3A, %gather3A_202] : memref<32x256xf32, #tpu.memory_space<vmem>>[vector<16xi32>, vector<16xi32>], vector<16xf32>,
        %mul3A_205 = arith.constant 2 : i32
        %mul3A_206 = vector.broadcast %mul3A_205 : i32 to vector<16xi32>
        %mul3A_207 = arith.muli %mul3A_206, %add3A_201 : vector<16xi32>
        %ge3A_208 = arith.cmpf oge, %gather3A_204, %gather3A_203 : vector<16xf32>
        %convert_element_type3A_209 = arith.extui %ge3A_208 : vector<16xi1> to vector<16xi32>
        %add3A_210 = arith.addi %mul3A_207, %convert_element_type3A_209 : vector<16xi32>
        %gather3A_211 = tpu.vector_load_idx %arg29[%add3A_210] : memref<16384xi32, #tpu.memory_space<vmem>>[vector<16xi32>], vector<16xi32>,
        %gather3A_212 = tpu.vector_load_idx %arg36[%add3A_210] : memref<16384xf32, #tpu.memory_space<vmem>>[vector<16xi32>], vector<16xf32>,
        %gather3A_213 = tpu.vector_load_idx %arg38[%broadcast_in_dim3A, %gather3A_211] : memref<32x256xf32, #tpu.memory_space<vmem>>[vector<16xi32>, vector<16xi32>], vector<16xf32>,
        %mul3A_214 = arith.constant 2 : i32
        %mul3A_215 = vector.broadcast %mul3A_214 : i32 to vector<16xi32>
        %mul3A_216 = arith.muli %mul3A_215, %add3A_210 : vector<16xi32>
        %ge3A_217 = arith.cmpf oge, %gather3A_213, %gather3A_212 : vector<16xf32>
        %convert_element_type3A_218 = arith.extui %ge3A_217 : vector<16xi1> to vector<16xi32>
        %add3A_219 = arith.addi %mul3A_216, %convert_element_type3A_218 : vector<16xi32>
        %gather3A_220 = tpu.vector_load_idx %arg37[%add3A_219] : memref<32768xf32, #tpu.memory_space<vmem>>[vector<16xi32>], vector<16xf32>,
        %swap3A_221 = arith.index_cast %scan3A_66 : i32 to index
        %swap3A_222 = arith.constant 16 : index
        %swap3A_223 = tpu.vector_load %arg39[%swap3A_221, %swap3A_222] {strides = array<i32>} : memref<32x128xf32, #tpu.memory_space<vmem>>, vector<16xf32>,
        tpu.vector_store %arg39[%swap3A_221, %swap3A_222], %gather3A_220 {strides = array<i32>} : memref<32x128xf32, #tpu.memory_space<vmem>>, vector<16xf32>,
        %add3A_224 = arith.constant 32 : i32
        %add3A_225 = vector.broadcast %add3A_224 : i32 to vector<16xi32>
        %add3A_226 = arith.addi %add3A_225, %iota3A : vector<16xi32>
        %get3A_227 = arith.constant 32 : index
        %get3A_228 = tpu.vector_load %arg21[%get3A_227] {strides = array<i32>} : memref<128xi32, #tpu.memory_space<vmem>>, vector<16xi32>,
        %get3A_229 = arith.constant 32 : index
        %get3A_230 = tpu.vector_load %arg22[%get3A_229] {strides = array<i32>} : memref<128xf32, #tpu.memory_space<vmem>>, vector<16xf32>,
        %gather3A_231 = tpu.vector_load_idx %arg38[%broadcast_in_dim3A, %get3A_228] : memref<32x256xf32, #tpu.memory_space<vmem>>[vector<16xi32>, vector<16xi32>], vector<16xf32>,
        %mul3A_232 = arith.constant 2 : i32
        %mul3A_233 = vector.broadcast %mul3A_232 : i32 to vector<16xi32>
        %mul3A_234 = arith.muli %mul3A_233, %add3A_226 : vector<16xi32>
        %ge3A_235 = arith.cmpf oge, %gather3A_231, %get3A_230 : vector<16xf32>
        %convert_element_type3A_236 = arith.extui %ge3A_235 : vector<16xi1> to vector<16xi32>
        %add3A_237 = arith.addi %mul3A_234, %convert_element_type3A_236 : vector<16xi32>
        %gather3A_238 = tpu.vector_load_idx %arg23[%add3A_237] : memref<256xi32, #tpu.memory_space<vmem>>[vector<16xi32>], vector<16xi32>,
        %gather3A_239 = tpu.vector_load_idx %arg30[%add3A_237] : memref<256xf32, #tpu.memory_space<vmem>>[vector<16xi32>], vector<16xf32>,
        %gather3A_240 = tpu.vector_load_idx %arg38[%broadcast_in_dim3A, %gather3A_238] : memref<32x256xf32, #tpu.memory_space<vmem>>[vector<16xi32>, vector<16xi32>], vector<16xf32>,
        %mul3A_241 = arith.constant 2 : i32
        %mul3A_242 = vector.broadcast %mul3A_241 : i32 to vector<16xi32>
        %mul3A_243 = arith.muli %mul3A_242, %add3A_237 : vector<16xi32>
        %ge3A_244 = arith.cmpf oge, %gather3A_240, %gather3A_239 : vector<16xf32>
        %convert_element_type3A_245 = arith.extui %ge3A_244 : vector<16xi1> to vector<16xi32>
        %add3A_246 = arith.addi %mul3A_243, %convert_element_type3A_245 : vector<16xi32>
        %gather3A_247 = tpu.vector_load_idx %arg24[%add3A_246] : memref<512xi32, #tpu.memory_space<vmem>>[vector<16xi32>], vector<16xi32>,
        %gather3A_248 = tpu.vector_load_idx %arg31[%add3A_246] : memref<512xf32, #tpu.memory_space<vmem>>[vector<16xi32>], vector<16xf32>,
        %gather3A_249 = tpu.vector_load_idx %arg38[%broadcast_in_dim3A, %gather3A_247] : memref<32x256xf32, #tpu.memory_space<vmem>>[vector<16xi32>, vector<16xi32>], vector<16xf32>,
        %mul3A_250 = arith.constant 2 : i32
        %mul3A_251 = vector.broadcast %mul3A_250 : i32 to vector<16xi32>
        %mul3A_252 = arith.muli %mul3A_251, %add3A_246 : vector<16xi32>
        %ge3A_253 = arith.cmpf oge, %gather3A_249, %gather3A_248 : vector<16xf32>
        %convert_element_type3A_254 = arith.extui %ge3A_253 : vector<16xi1> to vector<16xi32>
        %add3A_255 = arith.addi %mul3A_252, %convert_element_type3A_254 : vector<16xi32>
        %gather3A_256 = tpu.vector_load_idx %arg25[%add3A_255] : memref<1024xi32, #tpu.memory_space<vmem>>[vector<16xi32>], vector<16xi32>,
        %gather3A_257 = tpu.vector_load_idx %arg32[%add3A_255] : memref<1024xf32, #tpu.memory_space<vmem>>[vector<16xi32>], vector<16xf32>,
        %gather3A_258 = tpu.vector_load_idx %arg38[%broadcast_in_dim3A, %gather3A_256] : memref<32x256xf32, #tpu.memory_space<vmem>>[vector<16xi32>, vector<16xi32>], vector<16xf32>,
        %mul3A_259 = arith.constant 2 : i32
        %mul3A_260 = vector.broadcast %mul3A_259 : i32 to vector<16xi32>
        %mul3A_261 = arith.muli %mul3A_260, %add3A_255 : vector<16xi32>
        %ge3A_262 = arith.cmpf oge, %gather3A_258, %gather3A_257 : vector<16xf32>
        %convert_element_type3A_263 = arith.extui %ge3A_262 : vector<16xi1> to vector<16xi32>
        %add3A_264 = arith.addi %mul3A_261, %convert_element_type3A_263 : vector<16xi32>
        %gather3A_265 = tpu.vector_load_idx %arg26[%add3A_264] : memref<2048xi32, #tpu.memory_space<vmem>>[vector<16xi32>], vector<16xi32>,
        %gather3A_266 = tpu.vector_load_idx %arg33[%add3A_264] : memref<2048xf32, #tpu.memory_space<vmem>>[vector<16xi32>], vector<16xf32>,
        %gather3A_267 = tpu.vector_load_idx %arg38[%broadcast_in_dim3A, %gather3A_265] : memref<32x256xf32, #tpu.memory_space<vmem>>[vector<16xi32>, vector<16xi32>], vector<16xf32>,
        %mul3A_268 = arith.constant 2 : i32
        %mul3A_269 = vector.broadcast %mul3A_268 : i32 to vector<16xi32>
        %mul3A_270 = arith.muli %mul3A_269, %add3A_264 : vector<16xi32>
        %ge3A_271 = arith.cmpf oge, %gather3A_267, %gather3A_266 : vector<16xf32>
        %convert_element_type3A_272 = arith.extui %ge3A_271 : vector<16xi1> to vector<16xi32>
        %add3A_273 = arith.addi %mul3A_270, %convert_element_type3A_272 : vector<16xi32>
        %gather3A_274 = tpu.vector_load_idx %arg27[%add3A_273] : memref<4096xi32, #tpu.memory_space<vmem>>[vector<16xi32>], vector<16xi32>,
        %gather3A_275 = tpu.vector_load_idx %arg34[%add3A_273] : memref<4096xf32, #tpu.memory_space<vmem>>[vector<16xi32>], vector<16xf32>,
        %gather3A_276 = tpu.vector_load_idx %arg38[%broadcast_in_dim3A, %gather3A_274] : memref<32x256xf32, #tpu.memory_space<vmem>>[vector<16xi32>, vector<16xi32>], vector<16xf32>,
        %mul3A_277 = arith.constant 2 : i32
        %mul3A_278 = vector.broadcast %mul3A_277 : i32 to vector<16xi32>
        %mul3A_279 = arith.muli %mul3A_278, %add3A_273 : vector<16xi32>
        %ge3A_280 = arith.cmpf oge, %gather3A_276, %gather3A_275 : vector<16xf32>
        %convert_element_type3A_281 = arith.extui %ge3A_280 : vector<16xi1> to vector<16xi32>
        %add3A_282 = arith.addi %mul3A_279, %convert_element_type3A_281 : vector<16xi32>
        %gather3A_283 = tpu.vector_load_idx %arg28[%add3A_282] : memref<8192xi32, #tpu.memory_space<vmem>>[vector<16xi32>], vector<16xi32>,
        %gather3A_284 = tpu.vector_load_idx %arg35[%add3A_282] : memref<8192xf32, #tpu.memory_space<vmem>>[vector<16xi32>], vector<16xf32>,
        %gather3A_285 = tpu.vector_load_idx %arg38[%broadcast_in_dim3A, %gather3A_283] : memref<32x256xf32, #tpu.memory_space<vmem>>[vector<16xi32>, vector<16xi32>], vector<16xf32>,
        %mul3A_286 = arith.constant 2 : i32
        %mul3A_287 = vector.broadcast %mul3A_286 : i32 to vector<16xi32>
        %mul3A_288 = arith.muli %mul3A_287, %add3A_282 : vector<16xi32>
        %ge3A_289 = arith.cmpf oge, %gather3A_285, %gather3A_284 : vector<16xf32>
        %convert_element_type3A_290 = arith.extui %ge3A_289 : vector<16xi1> to vector<16xi32>
        %add3A_291 = arith.addi %mul3A_288, %convert_element_type3A_290 : vector<16xi32>
        %gather3A_292 = tpu.vector_load_idx %arg29[%add3A_291] : memref<16384xi32, #tpu.memory_space<vmem>>[vector<16xi32>], vector<16xi32>,
        %gather3A_293 = tpu.vector_load_idx %arg36[%add3A_291] : memref<16384xf32, #tpu.memory_space<vmem>>[vector<16xi32>], vector<16xf32>,
        %gather3A_294 = tpu.vector_load_idx %arg38[%broadcast_in_dim3A, %gather3A_292] : memref<32x256xf32, #tpu.memory_space<vmem>>[vector<16xi32>, vector<16xi32>], vector<16xf32>,
        %mul3A_295 = arith.constant 2 : i32
        %mul3A_296 = vector.broadcast %mul3A_295 : i32 to vector<16xi32>
        %mul3A_297 = arith.muli %mul3A_296, %add3A_291 : vector<16xi32>
        %ge3A_298 = arith.cmpf oge, %gather3A_294, %gather3A_293 : vector<16xf32>
        %convert_element_type3A_299 = arith.extui %ge3A_298 : vector<16xi1> to vector<16xi32>
        %add3A_300 = arith.addi %mul3A_297, %convert_element_type3A_299 : vector<16xi32>
        %gather3A_301 = tpu.vector_load_idx %arg37[%add3A_300] : memref<32768xf32, #tpu.memory_space<vmem>>[vector<16xi32>], vector<16xf32>,
        %swap3A_302 = arith.index_cast %scan3A_66 : i32 to index
        %swap3A_303 = arith.constant 32 : index
        %swap3A_304 = tpu.vector_load %arg39[%swap3A_302, %swap3A_303] {strides = array<i32>} : memref<32x128xf32, #tpu.memory_space<vmem>>, vector<16xf32>,
        tpu.vector_store %arg39[%swap3A_302, %swap3A_303], %gather3A_301 {strides = array<i32>} : memref<32x128xf32, #tpu.memory_space<vmem>>, vector<16xf32>,
        %add3A_305 = arith.constant 48 : i32
        %add3A_306 = vector.broadcast %add3A_305 : i32 to vector<16xi32>
        %add3A_307 = arith.addi %add3A_306, %iota3A : vector<16xi32>
        %get3A_308 = arith.constant 48 : index
        %get3A_309 = tpu.vector_load %arg21[%get3A_308] {strides = array<i32>} : memref<128xi32, #tpu.memory_space<vmem>>, vector<16xi32>,
        %get3A_310 = arith.constant 48 : index
        %get3A_311 = tpu.vector_load %arg22[%get3A_310] {strides = array<i32>} : memref<128xf32, #tpu.memory_space<vmem>>, vector<16xf32>,
        %gather3A_312 = tpu.vector_load_idx %arg38[%broadcast_in_dim3A, %get3A_309] : memref<32x256xf32, #tpu.memory_space<vmem>>[vector<16xi32>, vector<16xi32>], vector<16xf32>,
        %mul3A_313 = arith.constant 2 : i32
        %mul3A_314 = vector.broadcast %mul3A_313 : i32 to vector<16xi32>
        %mul3A_315 = arith.muli %mul3A_314, %add3A_307 : vector<16xi32>
        %ge3A_316 = arith.cmpf oge, %gather3A_312, %get3A_311 : vector<16xf32>
        %convert_element_type3A_317 = arith.extui %ge3A_316 : vector<16xi1> to vector<16xi32>
        %add3A_318 = arith.addi %mul3A_315, %convert_element_type3A_317 : vector<16xi32>
        %gather3A_319 = tpu.vector_load_idx %arg23[%add3A_318] : memref<256xi32, #tpu.memory_space<vmem>>[vector<16xi32>], vector<16xi32>,
        %gather3A_320 = tpu.vector_load_idx %arg30[%add3A_318] : memref<256xf32, #tpu.memory_space<vmem>>[vector<16xi32>], vector<16xf32>,
        %gather3A_321 = tpu.vector_load_idx %arg38[%broadcast_in_dim3A, %gather3A_319] : memref<32x256xf32, #tpu.memory_space<vmem>>[vector<16xi32>, vector<16xi32>], vector<16xf32>,
        %mul3A_322 = arith.constant 2 : i32
        %mul3A_323 = vector.broadcast %mul3A_322 : i32 to vector<16xi32>
        %mul3A_324 = arith.muli %mul3A_323, %add3A_318 : vector<16xi32>
        %ge3A_325 = arith.cmpf oge, %gather3A_321, %gather3A_320 : vector<16xf32>
        %convert_element_type3A_326 = arith.extui %ge3A_325 : vector<16xi1> to vector<16xi32>
        %add3A_327 = arith.addi %mul3A_324, %convert_element_type3A_326 : vector<16xi32>
        %gather3A_328 = tpu.vector_load_idx %arg24[%add3A_327] : memref<512xi32, #tpu.memory_space<vmem>>[vector<16xi32>], vector<16xi32>,
        %gather3A_329 = tpu.vector_load_idx %arg31[%add3A_327] : memref<512xf32, #tpu.memory_space<vmem>>[vector<16xi32>], vector<16xf32>,
        %gather3A_330 = tpu.vector_load_idx %arg38[%broadcast_in_dim3A, %gather3A_328] : memref<32x256xf32, #tpu.memory_space<vmem>>[vector<16xi32>, vector<16xi32>], vector<16xf32>,
        %mul3A_331 = arith.constant 2 : i32
        %mul3A_332 = vector.broadcast %mul3A_331 : i32 to vector<16xi32>
        %mul3A_333 = arith.muli %mul3A_332, %add3A_327 : vector<16xi32>
        %ge3A_334 = arith.cmpf oge, %gather3A_330, %gather3A_329 : vector<16xf32>
        %convert_element_type3A_335 = arith.extui %ge3A_334 : vector<16xi1> to vector<16xi32>
        %add3A_336 = arith.addi %mul3A_333, %convert_element_type3A_335 : vector<16xi32>
        %gather3A_337 = tpu.vector_load_idx %arg25[%add3A_336] : memref<1024xi32, #tpu.memory_space<vmem>>[vector<16xi32>], vector<16xi32>,
        %gather3A_338 = tpu.vector_load_idx %arg32[%add3A_336] : memref<1024xf32, #tpu.memory_space<vmem>>[vector<16xi32>], vector<16xf32>,
        %gather3A_339 = tpu.vector_load_idx %arg38[%broadcast_in_dim3A, %gather3A_337] : memref<32x256xf32, #tpu.memory_space<vmem>>[vector<16xi32>, vector<16xi32>], vector<16xf32>,
        %mul3A_340 = arith.constant 2 : i32
        %mul3A_341 = vector.broadcast %mul3A_340 : i32 to vector<16xi32>
        %mul3A_342 = arith.muli %mul3A_341, %add3A_336 : vector<16xi32>
        %ge3A_343 = arith.cmpf oge, %gather3A_339, %gather3A_338 : vector<16xf32>
        %convert_element_type3A_344 = arith.extui %ge3A_343 : vector<16xi1> to vector<16xi32>
        %add3A_345 = arith.addi %mul3A_342, %convert_element_type3A_344 : vector<16xi32>
        %gather3A_346 = tpu.vector_load_idx %arg26[%add3A_345] : memref<2048xi32, #tpu.memory_space<vmem>>[vector<16xi32>], vector<16xi32>,
        %gather3A_347 = tpu.vector_load_idx %arg33[%add3A_345] : memref<2048xf32, #tpu.memory_space<vmem>>[vector<16xi32>], vector<16xf32>,
        %gather3A_348 = tpu.vector_load_idx %arg38[%broadcast_in_dim3A, %gather3A_346] : memref<32x256xf32, #tpu.memory_space<vmem>>[vector<16xi32>, vector<16xi32>], vector<16xf32>,
        %mul3A_349 = arith.constant 2 : i32
        %mul3A_350 = vector.broadcast %mul3A_349 : i32 to vector<16xi32>
        %mul3A_351 = arith.muli %mul3A_350, %add3A_345 : vector<16xi32>
        %ge3A_352 = arith.cmpf oge, %gather3A_348, %gather3A_347 : vector<16xf32>
        %convert_element_type3A_353 = arith.extui %ge3A_352 : vector<16xi1> to vector<16xi32>
        %add3A_354 = arith.addi %mul3A_351, %convert_element_type3A_353 : vector<16xi32>
        %gather3A_355 = tpu.vector_load_idx %arg27[%add3A_354] : memref<4096xi32, #tpu.memory_space<vmem>>[vector<16xi32>], vector<16xi32>,
        %gather3A_356 = tpu.vector_load_idx %arg34[%add3A_354] : memref<4096xf32, #tpu.memory_space<vmem>>[vector<16xi32>], vector<16xf32>,
        %gather3A_357 = tpu.vector_load_idx %arg38[%broadcast_in_dim3A, %gather3A_355] : memref<32x256xf32, #tpu.memory_space<vmem>>[vector<16xi32>, vector<16xi32>], vector<16xf32>,
        %mul3A_358 = arith.constant 2 : i32
        %mul3A_359 = vector.broadcast %mul3A_358 : i32 to vector<16xi32>
        %mul3A_360 = arith.muli %mul3A_359, %add3A_354 : vector<16xi32>
        %ge3A_361 = arith.cmpf oge, %gather3A_357, %gather3A_356 : vector<16xf32>
        %convert_element_type3A_362 = arith.extui %ge3A_361 : vector<16xi1> to vector<16xi32>
        %add3A_363 = arith.addi %mul3A_360, %convert_element_type3A_362 : vector<16xi32>
        %gather3A_364 = tpu.vector_load_idx %arg28[%add3A_363] : memref<8192xi32, #tpu.memory_space<vmem>>[vector<16xi32>], vector<16xi32>,
        %gather3A_365 = tpu.vector_load_idx %arg35[%add3A_363] : memref<8192xf32, #tpu.memory_space<vmem>>[vector<16xi32>], vector<16xf32>,
        %gather3A_366 = tpu.vector_load_idx %arg38[%broadcast_in_dim3A, %gather3A_364] : memref<32x256xf32, #tpu.memory_space<vmem>>[vector<16xi32>, vector<16xi32>], vector<16xf32>,
        %mul3A_367 = arith.constant 2 : i32
        %mul3A_368 = vector.broadcast %mul3A_367 : i32 to vector<16xi32>
        %mul3A_369 = arith.muli %mul3A_368, %add3A_363 : vector<16xi32>
        %ge3A_370 = arith.cmpf oge, %gather3A_366, %gather3A_365 : vector<16xf32>
        %convert_element_type3A_371 = arith.extui %ge3A_370 : vector<16xi1> to vector<16xi32>
        %add3A_372 = arith.addi %mul3A_369, %convert_element_type3A_371 : vector<16xi32>
        %gather3A_373 = tpu.vector_load_idx %arg29[%add3A_372] : memref<16384xi32, #tpu.memory_space<vmem>>[vector<16xi32>], vector<16xi32>,
        %gather3A_374 = tpu.vector_load_idx %arg36[%add3A_372] : memref<16384xf32, #tpu.memory_space<vmem>>[vector<16xi32>], vector<16xf32>,
        %gather3A_375 = tpu.vector_load_idx %arg38[%broadcast_in_dim3A, %gather3A_373] : memref<32x256xf32, #tpu.memory_space<vmem>>[vector<16xi32>, vector<16xi32>], vector<16xf32>,
        %mul3A_376 = arith.constant 2 : i32
        %mul3A_377 = vector.broadcast %mul3A_376 : i32 to vector<16xi32>
        %mul3A_378 = arith.muli %mul3A_377, %add3A_372 : vector<16xi32>
        %ge3A_379 = arith.cmpf oge, %gather3A_375, %gather3A_374 : vector<16xf32>
        %convert_element_type3A_380 = arith.extui %ge3A_379 : vector<16xi1> to vector<16xi32>
        %add3A_381 = arith.addi %mul3A_378, %convert_element_type3A_380 : vector<16xi32>
        %gather3A_382 = tpu.vector_load_idx %arg37[%add3A_381] : memref<32768xf32, #tpu.memory_space<vmem>>[vector<16xi32>], vector<16xf32>,
        %swap3A_383 = arith.index_cast %scan3A_66 : i32 to index
        %swap3A_384 = arith.constant 48 : index
        %swap3A_385 = tpu.vector_load %arg39[%swap3A_383, %swap3A_384] {strides = array<i32>} : memref<32x128xf32, #tpu.memory_space<vmem>>, vector<16xf32>,
        tpu.vector_store %arg39[%swap3A_383, %swap3A_384], %gather3A_382 {strides = array<i32>} : memref<32x128xf32, #tpu.memory_space<vmem>>, vector<16xf32>,
        %add3A_386 = arith.constant 64 : i32
        %add3A_387 = vector.broadcast %add3A_386 : i32 to vector<16xi32>
        %add3A_388 = arith.addi %add3A_387, %iota3A : vector<16xi32>
        %get3A_389 = arith.constant 64 : index
        %get3A_390 = tpu.vector_load %arg21[%get3A_389] {strides = array<i32>} : memref<128xi32, #tpu.memory_space<vmem>>, vector<16xi32>,
        %get3A_391 = arith.constant 64 : index
        %get3A_392 = tpu.vector_load %arg22[%get3A_391] {strides = array<i32>} : memref<128xf32, #tpu.memory_space<vmem>>, vector<16xf32>,
        %gather3A_393 = tpu.vector_load_idx %arg38[%broadcast_in_dim3A, %get3A_390] : memref<32x256xf32, #tpu.memory_space<vmem>>[vector<16xi32>, vector<16xi32>], vector<16xf32>,
        %mul3A_394 = arith.constant 2 : i32
        %mul3A_395 = vector.broadcast %mul3A_394 : i32 to vector<16xi32>
        %mul3A_396 = arith.muli %mul3A_395, %add3A_388 : vector<16xi32>
        %ge3A_397 = arith.cmpf oge, %gather3A_393, %get3A_392 : vector<16xf32>
        %convert_element_type3A_398 = arith.extui %ge3A_397 : vector<16xi1> to vector<16xi32>
        %add3A_399 = arith.addi %mul3A_396, %convert_element_type3A_398 : vector<16xi32>
        %gather3A_400 = tpu.vector_load_idx %arg23[%add3A_399] : memref<256xi32, #tpu.memory_space<vmem>>[vector<16xi32>], vector<16xi32>,
        %gather3A_401 = tpu.vector_load_idx %arg30[%add3A_399] : memref<256xf32, #tpu.memory_space<vmem>>[vector<16xi32>], vector<16xf32>,
        %gather3A_402 = tpu.vector_load_idx %arg38[%broadcast_in_dim3A, %gather3A_400] : memref<32x256xf32, #tpu.memory_space<vmem>>[vector<16xi32>, vector<16xi32>], vector<16xf32>,
        %mul3A_403 = arith.constant 2 : i32
        %mul3A_404 = vector.broadcast %mul3A_403 : i32 to vector<16xi32>
        %mul3A_405 = arith.muli %mul3A_404, %add3A_399 : vector<16xi32>
        %ge3A_406 = arith.cmpf oge, %gather3A_402, %gather3A_401 : vector<16xf32>
        %convert_element_type3A_407 = arith.extui %ge3A_406 : vector<16xi1> to vector<16xi32>
        %add3A_408 = arith.addi %mul3A_405, %convert_element_type3A_407 : vector<16xi32>
        %gather3A_409 = tpu.vector_load_idx %arg24[%add3A_408] : memref<512xi32, #tpu.memory_space<vmem>>[vector<16xi32>], vector<16xi32>,
        %gather3A_410 = tpu.vector_load_idx %arg31[%add3A_408] : memref<512xf32, #tpu.memory_space<vmem>>[vector<16xi32>], vector<16xf32>,
        %gather3A_411 = tpu.vector_load_idx %arg38[%broadcast_in_dim3A, %gather3A_409] : memref<32x256xf32, #tpu.memory_space<vmem>>[vector<16xi32>, vector<16xi32>], vector<16xf32>,
        %mul3A_412 = arith.constant 2 : i32
        %mul3A_413 = vector.broadcast %mul3A_412 : i32 to vector<16xi32>
        %mul3A_414 = arith.muli %mul3A_413, %add3A_408 : vector<16xi32>
        %ge3A_415 = arith.cmpf oge, %gather3A_411, %gather3A_410 : vector<16xf32>
        %convert_element_type3A_416 = arith.extui %ge3A_415 : vector<16xi1> to vector<16xi32>
        %add3A_417 = arith.addi %mul3A_414, %convert_element_type3A_416 : vector<16xi32>
        %gather3A_418 = tpu.vector_load_idx %arg25[%add3A_417] : memref<1024xi32, #tpu.memory_space<vmem>>[vector<16xi32>], vector<16xi32>,
        %gather3A_419 = tpu.vector_load_idx %arg32[%add3A_417] : memref<1024xf32, #tpu.memory_space<vmem>>[vector<16xi32>], vector<16xf32>,
        %gather3A_420 = tpu.vector_load_idx %arg38[%broadcast_in_dim3A, %gather3A_418] : memref<32x256xf32, #tpu.memory_space<vmem>>[vector<16xi32>, vector<16xi32>], vector<16xf32>,
        %mul3A_421 = arith.constant 2 : i32
        %mul3A_422 = vector.broadcast %mul3A_421 : i32 to vector<16xi32>
        %mul3A_423 = arith.muli %mul3A_422, %add3A_417 : vector<16xi32>
        %ge3A_424 = arith.cmpf oge, %gather3A_420, %gather3A_419 : vector<16xf32>
        %convert_element_type3A_425 = arith.extui %ge3A_424 : vector<16xi1> to vector<16xi32>
        %add3A_426 = arith.addi %mul3A_423, %convert_element_type3A_425 : vector<16xi32>
        %gather3A_427 = tpu.vector_load_idx %arg26[%add3A_426] : memref<2048xi32, #tpu.memory_space<vmem>>[vector<16xi32>], vector<16xi32>,
        %gather3A_428 = tpu.vector_load_idx %arg33[%add3A_426] : memref<2048xf32, #tpu.memory_space<vmem>>[vector<16xi32>], vector<16xf32>,
        %gather3A_429 = tpu.vector_load_idx %arg38[%broadcast_in_dim3A, %gather3A_427] : memref<32x256xf32, #tpu.memory_space<vmem>>[vector<16xi32>, vector<16xi32>], vector<16xf32>,
        %mul3A_430 = arith.constant 2 : i32
        %mul3A_431 = vector.broadcast %mul3A_430 : i32 to vector<16xi32>
        %mul3A_432 = arith.muli %mul3A_431, %add3A_426 : vector<16xi32>
        %ge3A_433 = arith.cmpf oge, %gather3A_429, %gather3A_428 : vector<16xf32>
        %convert_element_type3A_434 = arith.extui %ge3A_433 : vector<16xi1> to vector<16xi32>
        %add3A_435 = arith.addi %mul3A_432, %convert_element_type3A_434 : vector<16xi32>
        %gather3A_436 = tpu.vector_load_idx %arg27[%add3A_435] : memref<4096xi32, #tpu.memory_space<vmem>>[vector<16xi32>], vector<16xi32>,
        %gather3A_437 = tpu.vector_load_idx %arg34[%add3A_435] : memref<4096xf32, #tpu.memory_space<vmem>>[vector<16xi32>], vector<16xf32>,
        %gather3A_438 = tpu.vector_load_idx %arg38[%broadcast_in_dim3A, %gather3A_436] : memref<32x256xf32, #tpu.memory_space<vmem>>[vector<16xi32>, vector<16xi32>], vector<16xf32>,
        %mul3A_439 = arith.constant 2 : i32
        %mul3A_440 = vector.broadcast %mul3A_439 : i32 to vector<16xi32>
        %mul3A_441 = arith.muli %mul3A_440, %add3A_435 : vector<16xi32>
        %ge3A_442 = arith.cmpf oge, %gather3A_438, %gather3A_437 : vector<16xf32>
        %convert_element_type3A_443 = arith.extui %ge3A_442 : vector<16xi1> to vector<16xi32>
        %add3A_444 = arith.addi %mul3A_441, %convert_element_type3A_443 : vector<16xi32>
        %gather3A_445 = tpu.vector_load_idx %arg28[%add3A_444] : memref<8192xi32, #tpu.memory_space<vmem>>[vector<16xi32>], vector<16xi32>,
        %gather3A_446 = tpu.vector_load_idx %arg35[%add3A_444] : memref<8192xf32, #tpu.memory_space<vmem>>[vector<16xi32>], vector<16xf32>,
        %gather3A_447 = tpu.vector_load_idx %arg38[%broadcast_in_dim3A, %gather3A_445] : memref<32x256xf32, #tpu.memory_space<vmem>>[vector<16xi32>, vector<16xi32>], vector<16xf32>,
        %mul3A_448 = arith.constant 2 : i32
        %mul3A_449 = vector.broadcast %mul3A_448 : i32 to vector<16xi32>
        %mul3A_450 = arith.muli %mul3A_449, %add3A_444 : vector<16xi32>
        %ge3A_451 = arith.cmpf oge, %gather3A_447, %gather3A_446 : vector<16xf32>
        %convert_element_type3A_452 = arith.extui %ge3A_451 : vector<16xi1> to vector<16xi32>
        %add3A_453 = arith.addi %mul3A_450, %convert_element_type3A_452 : vector<16xi32>
        %gather3A_454 = tpu.vector_load_idx %arg29[%add3A_453] : memref<16384xi32, #tpu.memory_space<vmem>>[vector<16xi32>], vector<16xi32>,
        %gather3A_455 = tpu.vector_load_idx %arg36[%add3A_453] : memref<16384xf32, #tpu.memory_space<vmem>>[vector<16xi32>], vector<16xf32>,
        %gather3A_456 = tpu.vector_load_idx %arg38[%broadcast_in_dim3A, %gather3A_454] : memref<32x256xf32, #tpu.memory_space<vmem>>[vector<16xi32>, vector<16xi32>], vector<16xf32>,
        %mul3A_457 = arith.constant 2 : i32
        %mul3A_458 = vector.broadcast %mul3A_457 : i32 to vector<16xi32>
        %mul3A_459 = arith.muli %mul3A_458, %add3A_453 : vector<16xi32>
        %ge3A_460 = arith.cmpf oge, %gather3A_456, %gather3A_455 : vector<16xf32>
        %convert_element_type3A_461 = arith.extui %ge3A_460 : vector<16xi1> to vector<16xi32>
        %add3A_462 = arith.addi %mul3A_459, %convert_element_type3A_461 : vector<16xi32>
        %gather3A_463 = tpu.vector_load_idx %arg37[%add3A_462] : memref<32768xf32, #tpu.memory_space<vmem>>[vector<16xi32>], vector<16xf32>,
        %swap3A_464 = arith.index_cast %scan3A_66 : i32 to index
        %swap3A_465 = arith.constant 64 : index
        %swap3A_466 = tpu.vector_load %arg39[%swap3A_464, %swap3A_465] {strides = array<i32>} : memref<32x128xf32, #tpu.memory_space<vmem>>, vector<16xf32>,
        tpu.vector_store %arg39[%swap3A_464, %swap3A_465], %gather3A_463 {strides = array<i32>} : memref<32x128xf32, #tpu.memory_space<vmem>>, vector<16xf32>,
        %add3A_467 = arith.constant 80 : i32
        %add3A_468 = vector.broadcast %add3A_467 : i32 to vector<16xi32>
        %add3A_469 = arith.addi %add3A_468, %iota3A : vector<16xi32>
        %get3A_470 = arith.constant 80 : index
        %get3A_471 = tpu.vector_load %arg21[%get3A_470] {strides = array<i32>} : memref<128xi32, #tpu.memory_space<vmem>>, vector<16xi32>,
        %get3A_472 = arith.constant 80 : index
        %get3A_473 = tpu.vector_load %arg22[%get3A_472] {strides = array<i32>} : memref<128xf32, #tpu.memory_space<vmem>>, vector<16xf32>,
        %gather3A_474 = tpu.vector_load_idx %arg38[%broadcast_in_dim3A, %get3A_471] : memref<32x256xf32, #tpu.memory_space<vmem>>[vector<16xi32>, vector<16xi32>], vector<16xf32>,
        %mul3A_475 = arith.constant 2 : i32
        %mul3A_476 = vector.broadcast %mul3A_475 : i32 to vector<16xi32>
        %mul3A_477 = arith.muli %mul3A_476, %add3A_469 : vector<16xi32>
        %ge3A_478 = arith.cmpf oge, %gather3A_474, %get3A_473 : vector<16xf32>
        %convert_element_type3A_479 = arith.extui %ge3A_478 : vector<16xi1> to vector<16xi32>
        %add3A_480 = arith.addi %mul3A_477, %convert_element_type3A_479 : vector<16xi32>
        %gather3A_481 = tpu.vector_load_idx %arg23[%add3A_480] : memref<256xi32, #tpu.memory_space<vmem>>[vector<16xi32>], vector<16xi32>,
        %gather3A_482 = tpu.vector_load_idx %arg30[%add3A_480] : memref<256xf32, #tpu.memory_space<vmem>>[vector<16xi32>], vector<16xf32>,
        %gather3A_483 = tpu.vector_load_idx %arg38[%broadcast_in_dim3A, %gather3A_481] : memref<32x256xf32, #tpu.memory_space<vmem>>[vector<16xi32>, vector<16xi32>], vector<16xf32>,
        %mul3A_484 = arith.constant 2 : i32
        %mul3A_485 = vector.broadcast %mul3A_484 : i32 to vector<16xi32>
        %mul3A_486 = arith.muli %mul3A_485, %add3A_480 : vector<16xi32>
        %ge3A_487 = arith.cmpf oge, %gather3A_483, %gather3A_482 : vector<16xf32>
        %convert_element_type3A_488 = arith.extui %ge3A_487 : vector<16xi1> to vector<16xi32>
        %add3A_489 = arith.addi %mul3A_486, %convert_element_type3A_488 : vector<16xi32>
        %gather3A_490 = tpu.vector_load_idx %arg24[%add3A_489] : memref<512xi32, #tpu.memory_space<vmem>>[vector<16xi32>], vector<16xi32>,
        %gather3A_491 = tpu.vector_load_idx %arg31[%add3A_489] : memref<512xf32, #tpu.memory_space<vmem>>[vector<16xi32>], vector<16xf32>,
        %gather3A_492 = tpu.vector_load_idx %arg38[%broadcast_in_dim3A, %gather3A_490] : memref<32x256xf32, #tpu.memory_space<vmem>>[vector<16xi32>, vector<16xi32>], vector<16xf32>,
        %mul3A_493 = arith.constant 2 : i32
        %mul3A_494 = vector.broadcast %mul3A_493 : i32 to vector<16xi32>
        %mul3A_495 = arith.muli %mul3A_494, %add3A_489 : vector<16xi32>
        %ge3A_496 = arith.cmpf oge, %gather3A_492, %gather3A_491 : vector<16xf32>
        %convert_element_type3A_497 = arith.extui %ge3A_496 : vector<16xi1> to vector<16xi32>
        %add3A_498 = arith.addi %mul3A_495, %convert_element_type3A_497 : vector<16xi32>
        %gather3A_499 = tpu.vector_load_idx %arg25[%add3A_498] : memref<1024xi32, #tpu.memory_space<vmem>>[vector<16xi32>], vector<16xi32>,
        %gather3A_500 = tpu.vector_load_idx %arg32[%add3A_498] : memref<1024xf32, #tpu.memory_space<vmem>>[vector<16xi32>], vector<16xf32>,
        %gather3A_501 = tpu.vector_load_idx %arg38[%broadcast_in_dim3A, %gather3A_499] : memref<32x256xf32, #tpu.memory_space<vmem>>[vector<16xi32>, vector<16xi32>], vector<16xf32>,
        %mul3A_502 = arith.constant 2 : i32
        %mul3A_503 = vector.broadcast %mul3A_502 : i32 to vector<16xi32>
        %mul3A_504 = arith.muli %mul3A_503, %add3A_498 : vector<16xi32>
        %ge3A_505 = arith.cmpf oge, %gather3A_501, %gather3A_500 : vector<16xf32>
        %convert_element_type3A_506 = arith.extui %ge3A_505 : vector<16xi1> to vector<16xi32>
        %add3A_507 = arith.addi %mul3A_504, %convert_element_type3A_506 : vector<16xi32>
        %gather3A_508 = tpu.vector_load_idx %arg26[%add3A_507] : memref<2048xi32, #tpu.memory_space<vmem>>[vector<16xi32>], vector<16xi32>,
        %gather3A_509 = tpu.vector_load_idx %arg33[%add3A_507] : memref<2048xf32, #tpu.memory_space<vmem>>[vector<16xi32>], vector<16xf32>,
        %gather3A_510 = tpu.vector_load_idx %arg38[%broadcast_in_dim3A, %gather3A_508] : memref<32x256xf32, #tpu.memory_space<vmem>>[vector<16xi32>, vector<16xi32>], vector<16xf32>,
        %mul3A_511 = arith.constant 2 : i32
        %mul3A_512 = vector.broadcast %mul3A_511 : i32 to vector<16xi32>
        %mul3A_513 = arith.muli %mul3A_512, %add3A_507 : vector<16xi32>
        %ge3A_514 = arith.cmpf oge, %gather3A_510, %gather3A_509 : vector<16xf32>
        %convert_element_type3A_515 = arith.extui %ge3A_514 : vector<16xi1> to vector<16xi32>
        %add3A_516 = arith.addi %mul3A_513, %convert_element_type3A_515 : vector<16xi32>
        %gather3A_517 = tpu.vector_load_idx %arg27[%add3A_516] : memref<4096xi32, #tpu.memory_space<vmem>>[vector<16xi32>], vector<16xi32>,
        %gather3A_518 = tpu.vector_load_idx %arg34[%add3A_516] : memref<4096xf32, #tpu.memory_space<vmem>>[vector<16xi32>], vector<16xf32>,
        %gather3A_519 = tpu.vector_load_idx %arg38[%broadcast_in_dim3A, %gather3A_517] : memref<32x256xf32, #tpu.memory_space<vmem>>[vector<16xi32>, vector<16xi32>], vector<16xf32>,
        %mul3A_520 = arith.constant 2 : i32
        %mul3A_521 = vector.broadcast %mul3A_520 : i32 to vector<16xi32>
        %mul3A_522 = arith.muli %mul3A_521, %add3A_516 : vector<16xi32>
        %ge3A_523 = arith.cmpf oge, %gather3A_519, %gather3A_518 : vector<16xf32>
        %convert_element_type3A_524 = arith.extui %ge3A_523 : vector<16xi1> to vector<16xi32>
        %add3A_525 = arith.addi %mul3A_522, %convert_element_type3A_524 : vector<16xi32>
        %gather3A_526 = tpu.vector_load_idx %arg28[%add3A_525] : memref<8192xi32, #tpu.memory_space<vmem>>[vector<16xi32>], vector<16xi32>,
        %gather3A_527 = tpu.vector_load_idx %arg35[%add3A_525] : memref<8192xf32, #tpu.memory_space<vmem>>[vector<16xi32>], vector<16xf32>,
        %gather3A_528 = tpu.vector_load_idx %arg38[%broadcast_in_dim3A, %gather3A_526] : memref<32x256xf32, #tpu.memory_space<vmem>>[vector<16xi32>, vector<16xi32>], vector<16xf32>,
        %mul3A_529 = arith.constant 2 : i32
        %mul3A_530 = vector.broadcast %mul3A_529 : i32 to vector<16xi32>
        %mul3A_531 = arith.muli %mul3A_530, %add3A_525 : vector<16xi32>
        %ge3A_532 = arith.cmpf oge, %gather3A_528, %gather3A_527 : vector<16xf32>
        %convert_element_type3A_533 = arith.extui %ge3A_532 : vector<16xi1> to vector<16xi32>
        %add3A_534 = arith.addi %mul3A_531, %convert_element_type3A_533 : vector<16xi32>
        %gather3A_535 = tpu.vector_load_idx %arg29[%add3A_534] : memref<16384xi32, #tpu.memory_space<vmem>>[vector<16xi32>], vector<16xi32>,
        %gather3A_536 = tpu.vector_load_idx %arg36[%add3A_534] : memref<16384xf32, #tpu.memory_space<vmem>>[vector<16xi32>], vector<16xf32>,
        %gather3A_537 = tpu.vector_load_idx %arg38[%broadcast_in_dim3A, %gather3A_535] : memref<32x256xf32, #tpu.memory_space<vmem>>[vector<16xi32>, vector<16xi32>], vector<16xf32>,
        %mul3A_538 = arith.constant 2 : i32
        %mul3A_539 = vector.broadcast %mul3A_538 : i32 to vector<16xi32>
        %mul3A_540 = arith.muli %mul3A_539, %add3A_534 : vector<16xi32>
        %ge3A_541 = arith.cmpf oge, %gather3A_537, %gather3A_536 : vector<16xf32>
        %convert_element_type3A_542 = arith.extui %ge3A_541 : vector<16xi1> to vector<16xi32>
        %add3A_543 = arith.addi %mul3A_540, %convert_element_type3A_542 : vector<16xi32>
        %gather3A_544 = tpu.vector_load_idx %arg37[%add3A_543] : memref<32768xf32, #tpu.memory_space<vmem>>[vector<16xi32>], vector<16xf32>,
        %swap3A_545 = arith.index_cast %scan3A_66 : i32 to index
        %swap3A_546 = arith.constant 80 : index
        %swap3A_547 = tpu.vector_load %arg39[%swap3A_545, %swap3A_546] {strides = array<i32>} : memref<32x128xf32, #tpu.memory_space<vmem>>, vector<16xf32>,
        tpu.vector_store %arg39[%swap3A_545, %swap3A_546], %gather3A_544 {strides = array<i32>} : memref<32x128xf32, #tpu.memory_space<vmem>>, vector<16xf32>,
        %add3A_548 = arith.constant 96 : i32
        %add3A_549 = vector.broadcast %add3A_548 : i32 to vector<16xi32>
        %add3A_550 = arith.addi %add3A_549, %iota3A : vector<16xi32>
        %get3A_551 = arith.constant 96 : index
        %get3A_552 = tpu.vector_load %arg21[%get3A_551] {strides = array<i32>} : memref<128xi32, #tpu.memory_space<vmem>>, vector<16xi32>,
        %get3A_553 = arith.constant 96 : index
        %get3A_554 = tpu.vector_load %arg22[%get3A_553] {strides = array<i32>} : memref<128xf32, #tpu.memory_space<vmem>>, vector<16xf32>,
        %gather3A_555 = tpu.vector_load_idx %arg38[%broadcast_in_dim3A, %get3A_552] : memref<32x256xf32, #tpu.memory_space<vmem>>[vector<16xi32>, vector<16xi32>], vector<16xf32>,
        %mul3A_556 = arith.constant 2 : i32
        %mul3A_557 = vector.broadcast %mul3A_556 : i32 to vector<16xi32>
        %mul3A_558 = arith.muli %mul3A_557, %add3A_550 : vector<16xi32>
        %ge3A_559 = arith.cmpf oge, %gather3A_555, %get3A_554 : vector<16xf32>
        %convert_element_type3A_560 = arith.extui %ge3A_559 : vector<16xi1> to vector<16xi32>
        %add3A_561 = arith.addi %mul3A_558, %convert_element_type3A_560 : vector<16xi32>
        %gather3A_562 = tpu.vector_load_idx %arg23[%add3A_561] : memref<256xi32, #tpu.memory_space<vmem>>[vector<16xi32>], vector<16xi32>,
        %gather3A_563 = tpu.vector_load_idx %arg30[%add3A_561] : memref<256xf32, #tpu.memory_space<vmem>>[vector<16xi32>], vector<16xf32>,
        %gather3A_564 = tpu.vector_load_idx %arg38[%broadcast_in_dim3A, %gather3A_562] : memref<32x256xf32, #tpu.memory_space<vmem>>[vector<16xi32>, vector<16xi32>], vector<16xf32>,
        %mul3A_565 = arith.constant 2 : i32
        %mul3A_566 = vector.broadcast %mul3A_565 : i32 to vector<16xi32>
        %mul3A_567 = arith.muli %mul3A_566, %add3A_561 : vector<16xi32>
        %ge3A_568 = arith.cmpf oge, %gather3A_564, %gather3A_563 : vector<16xf32>
        %convert_element_type3A_569 = arith.extui %ge3A_568 : vector<16xi1> to vector<16xi32>
        %add3A_570 = arith.addi %mul3A_567, %convert_element_type3A_569 : vector<16xi32>
        %gather3A_571 = tpu.vector_load_idx %arg24[%add3A_570] : memref<512xi32, #tpu.memory_space<vmem>>[vector<16xi32>], vector<16xi32>,
        %gather3A_572 = tpu.vector_load_idx %arg31[%add3A_570] : memref<512xf32, #tpu.memory_space<vmem>>[vector<16xi32>], vector<16xf32>,
        %gather3A_573 = tpu.vector_load_idx %arg38[%broadcast_in_dim3A, %gather3A_571] : memref<32x256xf32, #tpu.memory_space<vmem>>[vector<16xi32>, vector<16xi32>], vector<16xf32>,
        %mul3A_574 = arith.constant 2 : i32
        %mul3A_575 = vector.broadcast %mul3A_574 : i32 to vector<16xi32>
        %mul3A_576 = arith.muli %mul3A_575, %add3A_570 : vector<16xi32>
        %ge3A_577 = arith.cmpf oge, %gather3A_573, %gather3A_572 : vector<16xf32>
        %convert_element_type3A_578 = arith.extui %ge3A_577 : vector<16xi1> to vector<16xi32>
        %add3A_579 = arith.addi %mul3A_576, %convert_element_type3A_578 : vector<16xi32>
        %gather3A_580 = tpu.vector_load_idx %arg25[%add3A_579] : memref<1024xi32, #tpu.memory_space<vmem>>[vector<16xi32>], vector<16xi32>,
        %gather3A_581 = tpu.vector_load_idx %arg32[%add3A_579] : memref<1024xf32, #tpu.memory_space<vmem>>[vector<16xi32>], vector<16xf32>,
        %gather3A_582 = tpu.vector_load_idx %arg38[%broadcast_in_dim3A, %gather3A_580] : memref<32x256xf32, #tpu.memory_space<vmem>>[vector<16xi32>, vector<16xi32>], vector<16xf32>,
        %mul3A_583 = arith.constant 2 : i32
        %mul3A_584 = vector.broadcast %mul3A_583 : i32 to vector<16xi32>
        %mul3A_585 = arith.muli %mul3A_584, %add3A_579 : vector<16xi32>
        %ge3A_586 = arith.cmpf oge, %gather3A_582, %gather3A_581 : vector<16xf32>
        %convert_element_type3A_587 = arith.extui %ge3A_586 : vector<16xi1> to vector<16xi32>
        %add3A_588 = arith.addi %mul3A_585, %convert_element_type3A_587 : vector<16xi32>
        %gather3A_589 = tpu.vector_load_idx %arg26[%add3A_588] : memref<2048xi32, #tpu.memory_space<vmem>>[vector<16xi32>], vector<16xi32>,
        %gather3A_590 = tpu.vector_load_idx %arg33[%add3A_588] : memref<2048xf32, #tpu.memory_space<vmem>>[vector<16xi32>], vector<16xf32>,
        %gather3A_591 = tpu.vector_load_idx %arg38[%broadcast_in_dim3A, %gather3A_589] : memref<32x256xf32, #tpu.memory_space<vmem>>[vector<16xi32>, vector<16xi32>], vector<16xf32>,
        %mul3A_592 = arith.constant 2 : i32
        %mul3A_593 = vector.broadcast %mul3A_592 : i32 to vector<16xi32>
        %mul3A_594 = arith.muli %mul3A_593, %add3A_588 : vector<16xi32>
        %ge3A_595 = arith.cmpf oge, %gather3A_591, %gather3A_590 : vector<16xf32>
        %convert_element_type3A_596 = arith.extui %ge3A_595 : vector<16xi1> to vector<16xi32>
        %add3A_597 = arith.addi %mul3A_594, %convert_element_type3A_596 : vector<16xi32>
        %gather3A_598 = tpu.vector_load_idx %arg27[%add3A_597] : memref<4096xi32, #tpu.memory_space<vmem>>[vector<16xi32>], vector<16xi32>,
        %gather3A_599 = tpu.vector_load_idx %arg34[%add3A_597] : memref<4096xf32, #tpu.memory_space<vmem>>[vector<16xi32>], vector<16xf32>,
        %gather3A_600 = tpu.vector_load_idx %arg38[%broadcast_in_dim3A, %gather3A_598] : memref<32x256xf32, #tpu.memory_space<vmem>>[vector<16xi32>, vector<16xi32>], vector<16xf32>,
        %mul3A_601 = arith.constant 2 : i32
        %mul3A_602 = vector.broadcast %mul3A_601 : i32 to vector<16xi32>
        %mul3A_603 = arith.muli %mul3A_602, %add3A_597 : vector<16xi32>
        %ge3A_604 = arith.cmpf oge, %gather3A_600, %gather3A_599 : vector<16xf32>
        %convert_element_type3A_605 = arith.extui %ge3A_604 : vector<16xi1> to vector<16xi32>
        %add3A_606 = arith.addi %mul3A_603, %convert_element_type3A_605 : vector<16xi32>
        %gather3A_607 = tpu.vector_load_idx %arg28[%add3A_606] : memref<8192xi32, #tpu.memory_space<vmem>>[vector<16xi32>], vector<16xi32>,
        %gather3A_608 = tpu.vector_load_idx %arg35[%add3A_606] : memref<8192xf32, #tpu.memory_space<vmem>>[vector<16xi32>], vector<16xf32>,
        %gather3A_609 = tpu.vector_load_idx %arg38[%broadcast_in_dim3A, %gather3A_607] : memref<32x256xf32, #tpu.memory_space<vmem>>[vector<16xi32>, vector<16xi32>], vector<16xf32>,
        %mul3A_610 = arith.constant 2 : i32
        %mul3A_611 = vector.broadcast %mul3A_610 : i32 to vector<16xi32>
        %mul3A_612 = arith.muli %mul3A_611, %add3A_606 : vector<16xi32>
        %ge3A_613 = arith.cmpf oge, %gather3A_609, %gather3A_608 : vector<16xf32>
        %convert_element_type3A_614 = arith.extui %ge3A_613 : vector<16xi1> to vector<16xi32>
        %add3A_615 = arith.addi %mul3A_612, %convert_element_type3A_614 : vector<16xi32>
        %gather3A_616 = tpu.vector_load_idx %arg29[%add3A_615] : memref<16384xi32, #tpu.memory_space<vmem>>[vector<16xi32>], vector<16xi32>,
        %gather3A_617 = tpu.vector_load_idx %arg36[%add3A_615] : memref<16384xf32, #tpu.memory_space<vmem>>[vector<16xi32>], vector<16xf32>,
        %gather3A_618 = tpu.vector_load_idx %arg38[%broadcast_in_dim3A, %gather3A_616] : memref<32x256xf32, #tpu.memory_space<vmem>>[vector<16xi32>, vector<16xi32>], vector<16xf32>,
        %mul3A_619 = arith.constant 2 : i32
        %mul3A_620 = vector.broadcast %mul3A_619 : i32 to vector<16xi32>
        %mul3A_621 = arith.muli %mul3A_620, %add3A_615 : vector<16xi32>
        %ge3A_622 = arith.cmpf oge, %gather3A_618, %gather3A_617 : vector<16xf32>
        %convert_element_type3A_623 = arith.extui %ge3A_622 : vector<16xi1> to vector<16xi32>
        %add3A_624 = arith.addi %mul3A_621, %convert_element_type3A_623 : vector<16xi32>
        %gather3A_625 = tpu.vector_load_idx %arg37[%add3A_624] : memref<32768xf32, #tpu.memory_space<vmem>>[vector<16xi32>], vector<16xf32>,
        %swap3A_626 = arith.index_cast %scan3A_66 : i32 to index
        %swap3A_627 = arith.constant 96 : index
        %swap3A_628 = tpu.vector_load %arg39[%swap3A_626, %swap3A_627] {strides = array<i32>} : memref<32x128xf32, #tpu.memory_space<vmem>>, vector<16xf32>,
        tpu.vector_store %arg39[%swap3A_626, %swap3A_627], %gather3A_625 {strides = array<i32>} : memref<32x128xf32, #tpu.memory_space<vmem>>, vector<16xf32>,
        %add3A_629 = arith.constant 112 : i32
        %add3A_630 = vector.broadcast %add3A_629 : i32 to vector<16xi32>
        %add3A_631 = arith.addi %add3A_630, %iota3A : vector<16xi32>
        %get3A_632 = arith.constant 112 : index
        %get3A_633 = tpu.vector_load %arg21[%get3A_632] {strides = array<i32>} : memref<128xi32, #tpu.memory_space<vmem>>, vector<16xi32>,
        %get3A_634 = arith.constant 112 : index
        %get3A_635 = tpu.vector_load %arg22[%get3A_634] {strides = array<i32>} : memref<128xf32, #tpu.memory_space<vmem>>, vector<16xf32>,
        %gather3A_636 = tpu.vector_load_idx %arg38[%broadcast_in_dim3A, %get3A_633] : memref<32x256xf32, #tpu.memory_space<vmem>>[vector<16xi32>, vector<16xi32>], vector<16xf32>,
        %mul3A_637 = arith.constant 2 : i32
        %mul3A_638 = vector.broadcast %mul3A_637 : i32 to vector<16xi32>
        %mul3A_639 = arith.muli %mul3A_638, %add3A_631 : vector<16xi32>
        %ge3A_640 = arith.cmpf oge, %gather3A_636, %get3A_635 : vector<16xf32>
        %convert_element_type3A_641 = arith.extui %ge3A_640 : vector<16xi1> to vector<16xi32>
        %add3A_642 = arith.addi %mul3A_639, %convert_element_type3A_641 : vector<16xi32>
        %gather3A_643 = tpu.vector_load_idx %arg23[%add3A_642] : memref<256xi32, #tpu.memory_space<vmem>>[vector<16xi32>], vector<16xi32>,
        %gather3A_644 = tpu.vector_load_idx %arg30[%add3A_642] : memref<256xf32, #tpu.memory_space<vmem>>[vector<16xi32>], vector<16xf32>,
        %gather3A_645 = tpu.vector_load_idx %arg38[%broadcast_in_dim3A, %gather3A_643] : memref<32x256xf32, #tpu.memory_space<vmem>>[vector<16xi32>, vector<16xi32>], vector<16xf32>,
        %mul3A_646 = arith.constant 2 : i32
        %mul3A_647 = vector.broadcast %mul3A_646 : i32 to vector<16xi32>
        %mul3A_648 = arith.muli %mul3A_647, %add3A_642 : vector<16xi32>
        %ge3A_649 = arith.cmpf oge, %gather3A_645, %gather3A_644 : vector<16xf32>
        %convert_element_type3A_650 = arith.extui %ge3A_649 : vector<16xi1> to vector<16xi32>
        %add3A_651 = arith.addi %mul3A_648, %convert_element_type3A_650 : vector<16xi32>
        %gather3A_652 = tpu.vector_load_idx %arg24[%add3A_651] : memref<512xi32, #tpu.memory_space<vmem>>[vector<16xi32>], vector<16xi32>,
        %gather3A_653 = tpu.vector_load_idx %arg31[%add3A_651] : memref<512xf32, #tpu.memory_space<vmem>>[vector<16xi32>], vector<16xf32>,
        %gather3A_654 = tpu.vector_load_idx %arg38[%broadcast_in_dim3A, %gather3A_652] : memref<32x256xf32, #tpu.memory_space<vmem>>[vector<16xi32>, vector<16xi32>], vector<16xf32>,
        %mul3A_655 = arith.constant 2 : i32
        %mul3A_656 = vector.broadcast %mul3A_655 : i32 to vector<16xi32>
        %mul3A_657 = arith.muli %mul3A_656, %add3A_651 : vector<16xi32>
        %ge3A_658 = arith.cmpf oge, %gather3A_654, %gather3A_653 : vector<16xf32>
        %convert_element_type3A_659 = arith.extui %ge3A_658 : vector<16xi1> to vector<16xi32>
        %add3A_660 = arith.addi %mul3A_657, %convert_element_type3A_659 : vector<16xi32>
        %gather3A_661 = tpu.vector_load_idx %arg25[%add3A_660] : memref<1024xi32, #tpu.memory_space<vmem>>[vector<16xi32>], vector<16xi32>,
        %gather3A_662 = tpu.vector_load_idx %arg32[%add3A_660] : memref<1024xf32, #tpu.memory_space<vmem>>[vector<16xi32>], vector<16xf32>,
        %gather3A_663 = tpu.vector_load_idx %arg38[%broadcast_in_dim3A, %gather3A_661] : memref<32x256xf32, #tpu.memory_space<vmem>>[vector<16xi32>, vector<16xi32>], vector<16xf32>,
        %mul3A_664 = arith.constant 2 : i32
        %mul3A_665 = vector.broadcast %mul3A_664 : i32 to vector<16xi32>
        %mul3A_666 = arith.muli %mul3A_665, %add3A_660 : vector<16xi32>
        %ge3A_667 = arith.cmpf oge, %gather3A_663, %gather3A_662 : vector<16xf32>
        %convert_element_type3A_668 = arith.extui %ge3A_667 : vector<16xi1> to vector<16xi32>
        %add3A_669 = arith.addi %mul3A_666, %convert_element_type3A_668 : vector<16xi32>
        %gather3A_670 = tpu.vector_load_idx %arg26[%add3A_669] : memref<2048xi32, #tpu.memory_space<vmem>>[vector<16xi32>], vector<16xi32>,
        %gather3A_671 = tpu.vector_load_idx %arg33[%add3A_669] : memref<2048xf32, #tpu.memory_space<vmem>>[vector<16xi32>], vector<16xf32>,
        %gather3A_672 = tpu.vector_load_idx %arg38[%broadcast_in_dim3A, %gather3A_670] : memref<32x256xf32, #tpu.memory_space<vmem>>[vector<16xi32>, vector<16xi32>], vector<16xf32>,
        %mul3A_673 = arith.constant 2 : i32
        %mul3A_674 = vector.broadcast %mul3A_673 : i32 to vector<16xi32>
        %mul3A_675 = arith.muli %mul3A_674, %add3A_669 : vector<16xi32>
        %ge3A_676 = arith.cmpf oge, %gather3A_672, %gather3A_671 : vector<16xf32>
        %convert_element_type3A_677 = arith.extui %ge3A_676 : vector<16xi1> to vector<16xi32>
        %add3A_678 = arith.addi %mul3A_675, %convert_element_type3A_677 : vector<16xi32>
        %gather3A_679 = tpu.vector_load_idx %arg27[%add3A_678] : memref<4096xi32, #tpu.memory_space<vmem>>[vector<16xi32>], vector<16xi32>,
        %gather3A_680 = tpu.vector_load_idx %arg34[%add3A_678] : memref<4096xf32, #tpu.memory_space<vmem>>[vector<16xi32>], vector<16xf32>,
        %gather3A_681 = tpu.vector_load_idx %arg38[%broadcast_in_dim3A, %gather3A_679] : memref<32x256xf32, #tpu.memory_space<vmem>>[vector<16xi32>, vector<16xi32>], vector<16xf32>,
        %mul3A_682 = arith.constant 2 : i32
        %mul3A_683 = vector.broadcast %mul3A_682 : i32 to vector<16xi32>
        %mul3A_684 = arith.muli %mul3A_683, %add3A_678 : vector<16xi32>
        %ge3A_685 = arith.cmpf oge, %gather3A_681, %gather3A_680 : vector<16xf32>
        %convert_element_type3A_686 = arith.extui %ge3A_685 : vector<16xi1> to vector<16xi32>
        %add3A_687 = arith.addi %mul3A_684, %convert_element_type3A_686 : vector<16xi32>
        %gather3A_688 = tpu.vector_load_idx %arg28[%add3A_687] : memref<8192xi32, #tpu.memory_space<vmem>>[vector<16xi32>], vector<16xi32>,
        %gather3A_689 = tpu.vector_load_idx %arg35[%add3A_687] : memref<8192xf32, #tpu.memory_space<vmem>>[vector<16xi32>], vector<16xf32>,
        %gather3A_690 = tpu.vector_load_idx %arg38[%broadcast_in_dim3A, %gather3A_688] : memref<32x256xf32, #tpu.memory_space<vmem>>[vector<16xi32>, vector<16xi32>], vector<16xf32>,
        %mul3A_691 = arith.constant 2 : i32
        %mul3A_692 = vector.broadcast %mul3A_691 : i32 to vector<16xi32>
        %mul3A_693 = arith.muli %mul3A_692, %add3A_687 : vector<16xi32>
        %ge3A_694 = arith.cmpf oge, %gather3A_690, %gather3A_689 : vector<16xf32>
        %convert_element_type3A_695 = arith.extui %ge3A_694 : vector<16xi1> to vector<16xi32>
        %add3A_696 = arith.addi %mul3A_693, %convert_element_type3A_695 : vector<16xi32>
        %gather3A_697 = tpu.vector_load_idx %arg29[%add3A_696] : memref<16384xi32, #tpu.memory_space<vmem>>[vector<16xi32>], vector<16xi32>,
        %gather3A_698 = tpu.vector_load_idx %arg36[%add3A_696] : memref<16384xf32, #tpu.memory_space<vmem>>[vector<16xi32>], vector<16xf32>,
        %gather3A_699 = tpu.vector_load_idx %arg38[%broadcast_in_dim3A, %gather3A_697] : memref<32x256xf32, #tpu.memory_space<vmem>>[vector<16xi32>, vector<16xi32>], vector<16xf32>,
        %mul3A_700 = arith.constant 2 : i32
        %mul3A_701 = vector.broadcast %mul3A_700 : i32 to vector<16xi32>
        %mul3A_702 = arith.muli %mul3A_701, %add3A_696 : vector<16xi32>
        %ge3A_703 = arith.cmpf oge, %gather3A_699, %gather3A_698 : vector<16xf32>
        %convert_element_type3A_704 = arith.extui %ge3A_703 : vector<16xi1> to vector<16xi32>
        %add3A_705 = arith.addi %mul3A_702, %convert_element_type3A_704 : vector<16xi32>
        %gather3A_706 = tpu.vector_load_idx %arg37[%add3A_705] : memref<32768xf32, #tpu.memory_space<vmem>>[vector<16xi32>], vector<16xf32>,
        %swap3A_707 = arith.index_cast %scan3A_66 : i32 to index
        %swap3A_708 = arith.constant 112 : index
        %swap3A_709 = tpu.vector_load %arg39[%swap3A_707, %swap3A_708] {strides = array<i32>} : memref<32x128xf32, #tpu.memory_space<vmem>>, vector<16xf32>,
        tpu.vector_store %arg39[%swap3A_707, %swap3A_708], %gather3A_706 {strides = array<i32>} : memref<32x128xf32, #tpu.memory_space<vmem>>, vector<16xf32>,
      }
      %scan3A_65 = arith.constant 32 : i32
      "tpu.region"() ({
        %run_scoped3A = tpu.sem_alloc : memref<!tpu.dma_semaphore, #tpu.memory_space<semaphore_mem>>
        %dma_start3A = tpu.memref_slice %arg20[%add3A_59, %mul3A_32] : memref<16384x512xf32, #tpu.memory_space<hbm>> -> memref<32x128xf32, #tpu.memory_space<hbm>>
        %dma_start3A_66 = tpu.memref_slice %arg20[%add3A_59, %mul3A_32] : memref<16384x512xf32, #tpu.memory_space<hbm>> -> memref<32x128xf32, #tpu.memory_space<hbm>>
        tpu.enqueue_dma source(%arg39 : memref<32x128xf32, #tpu.memory_space<vmem>>) target(%dma_start3A_66 : memref<32x128xf32, #tpu.memory_space<hbm>>) target_semaphore(%run_scoped3A : memref<!tpu.dma_semaphore, #tpu.memory_space<semaphore_mem>>)
        %dma_wait3A = tpu.memref_slice %arg20[%add3A_59, %mul3A_32] : memref<16384x512xf32, #tpu.memory_space<hbm>> -> memref<32x128xf32, #tpu.memory_space<hbm>>
        %dma_wait3A_67 = tpu.memref_slice %arg20[%add3A_59, %mul3A_32] : memref<16384x512xf32, #tpu.memory_space<hbm>> -> memref<32x128xf32, #tpu.memory_space<hbm>>
        tpu.wait_dma2 semaphore(%run_scoped3A : memref<!tpu.dma_semaphore, #tpu.memory_space<semaphore_mem>>) src(%arg39 : memref<32x128xf32, #tpu.memory_space<vmem>>) dst(%dma_wait3A_67 : memref<32x128xf32, #tpu.memory_space<hbm>>)
        tpu.yield
      }) : () -> ()
    }
    %scan3A_55 = arith.constant 64 : i32
    return
  }
}

</mosaic_0001>

<sc_bundles>
// kernel: kernel.3.cloned.1.call-start
scs
__scs_entry_jumppad:
0x0: {  	(pc) =	sbr.rel $0x88, $3  }
0x1: {  	(tag) =	ssettag $0x0;
	lr =	simm.s32 $0x1  }
0x2: {  	[smem:$0x3F8F] =	sst lr;
	_ =	strace $0xD0000000  }
0x3: {  	_ = 	snop  }
0x4: {  	_ = 	snop  }
0x5: {  	_ = 	snop  }
0x6: {  	_ = 	snop  }
0x7: {  	_ = 	snop  }
__scs_overlays_trampoline_lowered:
0x8: {  	[smem:$0x3F9E] =	sst s0  }
0x9: {  	[smem:$0x3F9F] =	sst s1  }
0xa: {  	[smem:$0x3FA0] =	sst s2  }
0xb: {  	[smem:$0x3FA1] =	sst s3  }
0xc: {  	[smem:$0x3FA2] =	sst s4  }
0xd: {  	[smem:$0x3FA3] =	sst s5  }
0xe: {  	[smem:$0x3FA4] =	sst s6  }
0xf: {  	[smem:$0x3FA5] =	sst s7  }
0x10: {  	[smem:$0x3FA6] =	sst s8  }
0x11: {  	[smem:$0x3FA7] =	sst s9;
	s0 =	simm.s32 @!p0 $0x0  }
0x12: {  	s1 =	sld [smem:$0x3F8D];
	s0 =	simm.s32 @p0 $0x1  }
0x13: {  	[smem:$0x3FA8] =	sst s0;
	s0 =	simm.s32 @!p1 $0x0  }
0x14: {  	s2 =	sld [smem:$0x3F8C];
	s0 =	simm.s32 @p1 $0x1  }
0x15: {  	[smem:$0x3FA9] =	sst s0;
	s0 =	simm.s32 @!p2 $0x0  }
0x16: {  	s3 =	sld [smem:$0x3FDB];
	s0 =	simm.s32 @p2 $0x1  }
0x17: {  	s4 =	simm.s32 $0x1BF5;
	[smem:$0x3FAB] =	sst s0  }
0x18: {  	s0 =	sld [smem:$0x3F8E];
	_ =	swait.ge [sflag:s4], $0x0  }
0x19: {  	s7 =	sld [smem:$0x3F8F]  }
0x1a: {  	s8 =	sadd.s32 $0xFFFFE003, lr  }
0x1b: {  	s9 =	sadd.s32 $0xFFFFFEF7, lr;
	s5 =	simm.s32 $0xFFFFFFFF;
	p2 =	slt.u32 s8, $0xFFFFF086  }
0x1c: {  	p1 =	slt.u32 s9, $0xF7A;
	s5 =	simm.s32 @!p2 $0x0  }
0x1d: {  	s5 =	simm.s32 @p1 $0x1;
	p0 =	seq.s32 s7, s2  }
0x1e: {  	s7 =	smul.u32 @!p0 $0xF7A, s2;
	p2 =	seq.s32 @!p0 s5, $0x0  }
0x1f: {  	s9 =	smul.u32 $0xF7A, s1;
	s8 =	simm.s32 @!p0 $0x1BF5;
	p2 =	por !p2, p0  }
0x20: {  	[sflag:s8] =	ssyncset.s32 @!p0 $0xFFFFF086;
	s6 =	sadd.s32 @!p0 s3, s7;
	s7 =	simm.s32 @!p0 $0x108  }
0x21: {  	s3 =	sadd.s32 s3, s9;
	s6 =	sadd.s32 @!p0 $0x88, s6;
	s7 =	simm.s32 @p2 $0x1082  }
0x22: {  	[simem:s7], [sflag:s8] =	dma.local @!p0 [hbm:s6], $0xF7A  }
0x23: {  	s9 =	sor.u32 $0xD0000000, s2;
	s6 =	simm.s32 $0x108;
	_ =	swait.ge @!p0 [sflag:s8], $0x0  }
0x24: {  	s3 =	sadd.s32 $0x88, s3;
	s6 =	simm.s32 @!p1 $0x1082;
	[sflag:s4] =	ssyncset.s32 $0xFFFFF086  }
0x25: {  	[simem:s6], [sflag:s4] =	dma.local [hbm:s3], $0xF7A  }
0x26: {  	[smem:$0x3F8F] =	sst s1;
	(tag) =	ssettag s2;
	_ =	strace s9  }
0x27: {  	s1 =	sld [smem:$0x3F9F]  }
0x28: {  	s2 =	sld [smem:$0x3FA0]  }
0x29: {  	s4 =	sld [smem:$0x3FA2]  }
0x2a: {  	p0 =	seq.s32 s5, $0x0;
	s5 =	sld [smem:$0x3FA3]  }
0x2b: {  	s6 =	sld [smem:$0x3FA4]  }
0x2c: {  	s7 =	sld [smem:$0x3FA5]  }
0x2d: {  	s3 =	simm.s32 $0x108;
	s8 =	sld [smem:$0x3FA6]  }
0x2e: {  	s3 =	simm.s32 @!p0 $0x1082;
	s9 =	sld [smem:$0x3FA7]  }
0x2f: {  	lr =	sadd.s32 s0, s3;
	s0 =	sld [smem:$0x3F9E]  }
0x30: {  	s3 =	sld [smem:$0x3FA1]  }
0x31: {  	[smem:$0x3FAA] =	sst s10  }
0x32: {  	s10 =	sld [smem:$0x3FA8];
	_ =	sdelay $0x3  }
0x33: {  	p0 =	seq.s32 s10, $0x1;
	s10 =	sld [smem:$0x3FAA];
	_ =	sdelay $0x3  }
0x34: {  	[smem:$0x3FAA] =	sst s10  }
0x35: {  	s10 =	sld [smem:$0x3FA9];
	_ =	sdelay $0x3  }
0x36: {  	p1 =	seq.s32 s10, $0x1;
	s10 =	sld [smem:$0x3FAA];
	_ =	sdelay $0x3  }
0x37: {  	[smem:$0x3FAA] =	sst s10  }
0x38: {  	s10 =	sld [smem:$0x3FAB]  }
0x39: {  	_ = 	snop;
	(pc) =	sbr.ind lr, $3  }
0x3a: {  	_ = 	snop  }
0x3b: {  	_ = 	snop  }
0x3c: {  	p2 =	seq.s32 s10, $0x1;
	s10 =	sld [smem:$0x3FAA]  }
0x3d: {  	_ =	shalt  }
0x3e: {  	_ =	shalt  }
0x3f: {  	_ =	shalt  }
0x40: {  	_ =	shalt  }
0x41: {  	_ =	shalt  }
0x42: {  	_ =	shalt  }
0x43: {  	_ =	shalt  }
0x44: {  	_ =	shalt  }
0x45: {  	_ =	shalt  }
0x46: {  	_ =	shalt  }
0x47: {  	_ =	shalt  }
0x48: {  	_ =	shalt  }
0x49: {  	_ =	shalt  }
0x4a: {  	_ =	shalt  }
0x4b: {  	_ =	shalt  }
0x4c: {  	_ =	shalt  }
0x4d: {  	_ =	shalt  }
0x4e: {  	_ =	shalt  }
0x4f: {  	_ =	shalt  }
0x50: {  	_ =	shalt  }
0x51: {  	_ =	shalt  }
0x52: {  	_ =	shalt  }
0x53: {  	_ =	shalt  }
0x54: {  	_ =	shalt  }
0x55: {  	_ =	shalt  }
0x56: {  	_ =	shalt  }
0x57: {  	_ =	shalt  }
0x58: {  	_ =	shalt  }
0x59: {  	_ =	shalt  }
0x5a: {  	_ =	shalt  }
0x5b: {  	_ =	shalt  }
0x5c: {  	_ =	shalt  }
0x5d: {  	_ =	shalt  }
0x5e: {  	_ =	shalt  }
0x5f: {  	_ =	shalt  }
0x60: {  	_ =	shalt  }
0x61: {  	_ =	shalt  }
0x62: {  	_ =	shalt  }
0x63: {  	_ =	shalt  }
0x64: {  	_ =	shalt  }
0x65: {  	_ =	shalt  }
0x66: {  	_ =	shalt  }
0x67: {  	_ =	shalt  }
0x68: {  	_ =	shalt  }
0x69: {  	_ =	shalt  }
0x6a: {  	_ =	shalt  }
0x6b: {  	_ =	shalt  }
0x6c: {  	_ =	shalt  }
0x6d: {  	_ =	shalt  }
0x6e: {  	_ =	shalt  }
0x6f: {  	_ =	shalt  }
0x70: {  	_ =	shalt  }
0x71: {  	_ =	shalt  }
0x72: {  	_ =	shalt  }
0x73: {  	_ =	shalt  }
0x74: {  	_ =	shalt  }
0x75: {  	_ =	shalt  }
0x76: {  	_ =	shalt  }
0x77: {  	_ =	shalt  }
0x78: {  	_ =	shalt  }
0x79: {  	_ =	shalt  }
0x7a: {  	_ =	shalt  }
0x7b: {  	_ =	shalt  }
0x7c: {  	_ =	shalt  }
0x7d: {  	_ =	shalt  }
0x7e: {  	_ =	shalt  }
0x7f: {  	_ =	shalt  }
0x80: {  	_ =	shalt  }
0x81: {  	_ =	shalt  }
0x82: {  	_ =	shalt  }
0x83: {  	_ =	shalt  }
0x84: {  	_ =	shalt  }
0x85: {  	_ =	shalt  }
0x86: {  	_ =	shalt  }
0x87: {  	_ =	shalt  }
.Lfunc_end0:
.L_simem_size_0:
called_computation_lowered:
.L_overlay_start_0:
0x88: {  	s2 =	sld [smem:$0x3FD9]  }
0x89: {  	s3 =	sld [smem:$0x3FFE];
	_ =	sdelay $0x1  }
0x8a: {  	s1 =	srdreg.scid  }
0x8b: {  	s0 =	sand.u32 $0x1, s1  }
0x8c: {  	s29 =	sshll.u32 s0, $0xA;
	s2 =	sadd.s32 s3, s2  }
0x8d: {  	s2 =	sadd.s32 s2, s29  }
0x8e: {  	[smem:$0x3FB6] =	sst s2  }
0x8f: {  	_ = 	snop  }
0x90: {  	s2 =	sld [smem:$0x3FC8]  }
0x91: {  	s3 =	sld [smem:$0x3FC7]  }
0x92: {  	s4 =	sld [smem:$0x3FC6]  }
0x93: {  	s5 =	sld [smem:$0x3FC5]  }
0x94: {  	s6 =	sld [smem:$0x3FC4]  }
0x95: {  	s7 =	sld [smem:$0x3FC3]  }
0x96: {  	s8 =	sld [smem:$0x3FC2]  }
0x97: {  	s9 =	sld [smem:$0x3FC1]  }
0x98: {  	s10 =	sld [smem:$0x3FC0]  }
0x99: {  	s11 =	sld [smem:$0x3FBF]  }
0x9a: {  	s12 =	sld [smem:$0x3FBE]  }
0x9b: {  	s13 =	sld [smem:$0x3FBD]  }
0x9c: {  	s14 =	sld [smem:$0x3FBC]  }
0x9d: {  	s16 =	sld [smem:$0x3FBB]  }
0x9e: {  	s17 =	sld [smem:$0x3FBA]  }
0x9f: {  	s18 =	sld [smem:$0x3FB9]  }
0xa0: {  	s19 =	sld [smem:$0x3FB8]  }
0xa1: {  	s20 =	sld [smem:$0x3FD0];
	(tm) =	ssettm $0x1  }
0xa2: {  	s15 =	sld [smem:$0x3FFB];
	_ =	sdelay $0x3  }
0xa3: {  	_ =	strace s15  }
0xa4: {  	s15 =	sld [smem:$0x3FFC];
	_ =	sdelay $0x3  }
0xa5: {  	_ =	strace s15  }
0xa6: {  	s15 =	sld [smem:$0x3FFD];
	_ =	sdelay $0x3  }
0xa7: {  	_ =	strace s15  }
0xa8: {  	_ =	strace $0x8FFFFFFF  }
0xa9: {  	s30 =	sld [smem:$0x3FDB];
	_ =	sdelay $0x1  }
0xaa: {  	s21 =	simm.s32 $_scs_section_size  }
0xab: {  	s22 =	simm.s32 $_size__tile_task_arg_handler_lowered;
	s23 =	simm.s32 $_tile_task_arg_handler_lowered  }
0xac: {  	s26 =	simm.s32 $0x1BFF;
	s25 =	sshll.u32 s23, $0x1;
	s21 =	sadd.s32 s21, s30  }
0xad: {  	s24 =	simm.s32 $0x60;
	s31 =	sshll.u32 s22, $0x1;
	s22 =	sadd.s32 s25, s21  }
0xae: {  	[timem:s24], [sflag:s26] =	dma.local [hbm:s22], s31  }
0xaf: {  	_ =	swait.ge [sflag:s26], s31  }
0xb0: {  	s28 =	simm.s32 $_tile_overlayer_lowered;
	s15 =	ssub.s32 $0x0, s31;
	[sflag:s26] =	ssyncset.done $0x0  }
0xb1: {  	s29 =	simm.s32 $_size__tile_overlayer_lowered;
	s22 =	sshll.u32 s28, $0x1;
	[sflag:s26] =	ssyncadd.s32 s15  }
0xb2: {  	s30 =	sshll.u32 s29, $0x1;
	s22 =	sadd.s32 s22, s21;
	s15 =	simm.s32 $0x0  }
0xb3: {  	[timem:s15], [sflag:s26] =	dma.local [hbm:s22], s30  }
0xb4: {  	_ =	swait.ge [sflag:s26], s30  }
0xb5: {  	s31 =	ssub.s32 $0x0, s30;
	[sflag:s26] =	ssyncset.done $0x0  }
0xb6: {  	[sflag:s26] =	ssyncadd.s32 s31;
	_ =	sdelay $0x1  }
0xb7: {  	s23 =	simm.s32 $0x1B8B  }
0xb8: {  	_ =	swait.ge [sflag:s23], $0x1  }
0xb9: {  	[sflag:s23] =	ssyncset.done $0x0  }
0xba: {  	s25 =	simm.s32 $0x1B8E;
	s24 =	sld [smem:$0x3FFE];
	[sflag:s23] =	ssyncadd.s32 $0xFFFFFFFF  }
0xbb: {  	s26 =	simm.s32 $execute0_lowered;
	[smem:$0x3FD2] =	sst s25  }
0xbc: {  	s23 =	sshll.u32 s26, $0x1;
	_ =	strace $0x80000046;
	[dreg:$0x1] =	wrdreg $0xFFFFFFFF  }
0xbd: {  	s28 =	simm.s32 $_size_execute0_lowered;
	s21 =	sadd.s32 s21, s23;
	[dreg:$0x0] =	wrdreg $0x0  }
0xbe: {  	s23 =	sshll.u32 s28, $0x1;
	[dreg:$0x2] =	wrdreg s21  }
0xbf: {  	[dreg:$0x3] =	wrdreg s23  }
0xc0: {  	[dreg:$0x4] =	wrdreg $0xC0  }
0xc1: {  	_ =	task [dreg:s15], $0x5FFFF  }
0xc2: {  	[dreg:$0x1] =	wrdreg $0xFFFFFFFF  }
0xc3: {  	[dreg:$0x0] =	wrdreg $0x30  }
0xc4: {  	[dreg:$0x2] =	wrdreg $0x0  }
0xc5: {  	[dreg:$0x3] =	wrdreg s16  }
0xc6: {  	[dreg:$0x4] =	wrdreg s17  }
0xc7: {  	[dreg:$0x5] =	wrdreg s18  }
0xc8: {  	[dreg:$0x6] =	wrdreg s19  }
0xc9: {  	[dreg:$0x7] =	wrdreg s20  }
0xca: {  	[dreg:$0x8] =	wrdreg $0x9  }
0xcb: {  	_ =	task [dreg:s15], $0x9FFFF  }
0xcc: {  	[dreg:$0x1] =	wrdreg $0xFFFFFFFF  }
0xcd: {  	[dreg:$0x0] =	wrdreg $0x60  }
0xce: {  	[dreg:$0x2] =	wrdreg s24  }
0xcf: {  	[dreg:$0x3] =	wrdreg s2  }
0xd0: {  	[dreg:$0x4] =	wrdreg s3  }
0xd1: {  	[dreg:$0x5] =	wrdreg s4  }
0xd2: {  	[dreg:$0x6] =	wrdreg s5  }
0xd3: {  	[dreg:$0x7] =	wrdreg s6  }
0xd4: {  	[dreg:$0x8] =	wrdreg s7  }
0xd5: {  	[dreg:$0x9] =	wrdreg s8  }
0xd6: {  	[dreg:$0xa] =	wrdreg s9  }
0xd7: {  	[dreg:$0xb] =	wrdreg s10  }
0xd8: {  	[dreg:$0xc] =	wrdreg s11  }
0xd9: {  	[dreg:$0xd] =	wrdreg s12  }
0xda: {  	[dreg:$0xe] =	wrdreg s13  }
0xdb: {  	[dreg:$0xf] =	wrdreg s14  }
0xdc: {  	_ =	task.clear_ibuf [dreg:s15], $0x10FFFF;
	_ =	strace $0x90000046  }
0xdd: {  	s29 =	simm.s32 $0x9;
	_ =	strace $0x80000048  }
0xde: {  	_ =	swait.ge [sflag:s29], $0x1  }
0xdf: {  	[sflag:s29] =	ssyncadd.s32 $0xFFFFFFFF  }
0xe0: {  	_ =	strace $0x90000048  }
0xe1: {  	_ =	sfence  }
0xe2: {  	s30 =	sld [smem:$0x0];
	_ =	sdelay $0x2  }
0xe3: {  	s31 =	sshll.u32 s1, $0xD;
	s1 =	sshrl.u32 s1, $0x2  }
0xe4: {  	s3 =	sand.u32 $0x4000, s31;
	s1 =	sadd.s32 s1, s30  }
0xe5: {  	s0 =	sor.u32 s3, s0;
	s1 =	sshll.u32 s1, $0x11  }
0xe6: {  	s0 =	sor.u32 s1, s0  }
0xe7: {  	s0 =	sadd.s32 $0x8F2B, s0  }
0xe8: {  	[sflag:s0] =	ssyncadd.remote.s32 $0x1  }
0xe9: {  	_ =	sfence.sel $0xFFFF  }
0xea: {  	[dreg:$0x0] =	wrdreg $0xFFFFFFFF;
	(pc) =	sbr.abs _section_cstart, $3  }
0xeb: {  	[dreg:$0x1] =	wrdreg $0xFFFFFFFF  }
0xec: {  	_ =	task.clear_ibuf [dreg:s15], $0x2FFFF;
	_ =	strace $0x9FFFFFFF  }
0xed: {  	(tm) =	ssettm $0x7FFFFFFF  }
tec
_tile_task_arg_handler_lowered:
.L_overlay_start_1:
0x0: {  	(tag) =	ssettag $0x1  }
0x1: {  	s0 =	rddreg [dreg:$0x0]  }
0x2: {  	s1 =	rddreg [dreg:$0x1]  }
0x3: {  	s2 =	rddreg [dreg:$0x2]  }
0x4: {  	s3 =	rddreg [dreg:$0x3]  }
0x5: {  	s4 =	rddreg [dreg:$0x4]  }
0x6: {  	s5 =	rddreg [dreg:$0x5]  }
0x7: {  	s6 =	rddreg [dreg:$0x6]  }
0x8: {  	s7 =	rddreg [dreg:$0x7]  }
0x9: {  	s8 =	rddreg [dreg:$0x8]  }
0xa: {  	s9 =	rddreg [dreg:$0x9]  }
0xb: {  	s10 =	rddreg [dreg:$0xa]  }
0xc: {  	s11 =	rddreg [dreg:$0xb]  }
0xd: {  	s12 =	rddreg [dreg:$0xc]  }
0xe: {  	s13 =	rddreg [dreg:$0xd]  }
0xf: {  	[smem:s0] =	sst s1  }
0x10: {  	[smem:s0+$0x1] =	sst s2  }
0x11: {  	[smem:s0+$0x2] =	sst s3  }
0x12: {  	[smem:s0+$0x3] =	sst s4  }
0x13: {  	[smem:s0+$0x4] =	sst s5  }
0x14: {  	[smem:s0+$0x5] =	sst s6  }
0x15: {  	[smem:s0+$0x6] =	sst s7  }
0x16: {  	[smem:s0+$0x7] =	sst s8  }
0x17: {  	[smem:s0+$0x8] =	sst s9  }
0x18: {  	[smem:s0+$0x9] =	sst s10  }
0x19: {  	[smem:s0+$0xA] =	sst s11  }
0x1a: {  	[smem:s0+$0xB] =	sst s12  }
0x1b: {  	[smem:s0+$0xC] =	sst s13;
	_ =	shalt  }
.Lfunc_end2:
execute0_lowered:
.L_overlay_start_2:
0x1c: {  	(tag) =	ssettag $0x2  }
0x1d: {  	s3 =	rddreg [dreg:$0x0]  }
0x1e: {  	s2 =	rddreg [dreg:$0x1]  }
0x1f: {  	s1 =	rddreg [dreg:$0x2]  }
0x20: {  	s4 =	rddreg [dreg:$0x3]  }
0x21: {  	s5 =	rddreg [dreg:$0x4]  }
0x22: {  	s6 =	rddreg [dreg:$0x5]  }
0x23: {  	s7 =	rddreg [dreg:$0x6]  }
0x24: {  	s8 =	rddreg [dreg:$0x7]  }
0x25: {  	s9 =	rddreg [dreg:$0x8]  }
0x26: {  	s10 =	rddreg [dreg:$0x9]  }
0x27: {  	s11 =	rddreg [dreg:$0xa]  }
0x28: {  	s12 =	rddreg [dreg:$0xb]  }
0x29: {  	s13 =	rddreg [dreg:$0xc]  }
0x2a: {  	s14 =	rddreg [dreg:$0xd];
	s0 =	simm.s32 $0x0  }
0x2b: {  	s18 =	srdreg.scid;
	[smem:$0x7FF] =	sst s0  }
0x2c: {  	s24 =	stileid.u32;
	s15 =	sld [smem:$0x0]  }
0x2d: {  	s28 =	simm.s32 $0x8000;
	s29 =	simm.s32 $0x200;
	s16 =	sld [smem:$0x1]  }
0x2e: {  	s30 =	simm.s32 $0x8100;
	s31 =	simm.s32 $0x400;
	s21 =	sld [smem:$0x5]  }
0x2f: {  	s18 =	sand.u32 $0x1, s18;
	s25 =	sshll.u32 s24, $0x1;
	s17 =	sld [smem:$0x2]  }
0x30: {  	s3 =	sadd.s32 $0x400, s3;
	s19 =	sld [smem:$0x3];
	s22 =	ssub.s32 $0x2, s18  }
0x31: {  	s23 =	sshrl.u32 s22, $0x1;
	[dreg:$0xe] =	wrdreg s21;
	s21 =	sand.u32 $0x2, s25  }
0x32: {  	s20 =	sld [smem:$0x4];
	s23 =	ssub.s32 s22, s23;
	s21 =	sor.u32 s18, s21  }
0x33: {  	s23 =	smax.u32 s23, $0x1;
	_ =	strace $0x80000047;
	s26 =	sshll.u32 s21, $0x5  }
0x34: {  	s18 =	sshll.u32 s24, $0xA;
	s24 =	sshll.u32 s21, $0x6;
	s4 =	sadd.s32 s4, s26  }
0x35: {  	s25 =	sshll.u32 s21, $0x7;
	s22 =	sadd.s32 s11, s26;
	[dreg:$0xf] =	wrdreg s4  }
0x36: {  	s18 =	sand.u32 $0x3800, s18;
	s5 =	sadd.s32 s5, s24;
	[dreg:$0x10] =	wrdreg s22  }
0x37: {  	s26 =	sadd.s32 s6, s25;
	s6 =	sshll.u32 s21, $0x8;
	[dreg:$0x11] =	wrdreg s5  }
0x38: {  	s4 =	sadd.s32 s12, s24;
	[dreg:$0x13] =	wrdreg s26;
	s11 =	sadd.s32 s7, s6  }
0x39: {  	s12 =	sshll.u32 s21, $0x9;
	s22 =	sshll.u32 s21, $0xB;
	s26 =	sshll.u32 s21, $0xC  }
0x3a: {  	s5 =	simm.s32 $0x1000;
	s7 =	simm.s32 $0x2000;
	[dreg:$0x12] =	wrdreg s4  }
0x3b: {  	v2 =	vlaneseq.u32;
	s4 =	sadd.s32 s13, s25;
	[dreg:$0x15] =	wrdreg s11;
	s13 =	sadd.s32 s8, s12  }
0x3c: {  	v0 =	vmul.u32 $0x2, v2;
	s24 =	sadd.s32 s10, s22;
	s25 =	sshll.u32 s21, $0x4;
	s8 =	simm.s32 $0x9F00  }
0x3d: {  	v4 =	vimm.s32 $0x0;
	v1 =	vshrl.u32 v2, $0x1;
	v2 =	vmul.u32 $0x8, v2;
	s10 =	simm.s32 $0xBF00;
	s11 =	simm.s32 $0xFF00;
	[dreg:$0x14] =	wrdreg s4  }
0x3e: {  	v1 =	vmul.u32 $0x8, v1;
	v3 =	vor.u32 $0x1, v0;
	v5 =	vor.u32 $0x20, v0;
	s4 =	sadd.s32 s14, s6;
	[dreg:$0x17] =	wrdreg s13;
	s14 =	sshll.u32 s21, $0xA  }
0x3f: {  	v6 =	vor.u32 $0x21, v0;
	v8 =	vor.u32 $0x80, v2;
	v9 =	vor.u32 $0x40, v0;
	[dreg:$0x1b] =	wrdreg s24;
	s2 =	sadd.s32 s2, s25;
	s1 =	sadd.s32 s1, s25  }
0x40: {  	v10 =	vor.u32 $0x41, v0;
	v12 =	vor.u32 $0x100, v2;
	v13 =	vor.u32 $0x60, v0;
	s21 =	sadd.s32 s19, s26;
	s24 =	simm.s32 $0x1;
	s26 =	simm.s32 $0x100  }
0x41: {  	v14 =	vor.u32 $0x61, v0;
	v16 =	vor.u32 $0x180, v2;
	v17 =	vor.u32 $0x80, v0;
	s6 =	simm.s32 $0x8F00;
	s13 =	simm.s32 $0x19F00;
	[dreg:$0x16] =	wrdreg s4  }
0x42: {  	v18 =	vor.u32 $0x81, v0;
	v20 =	vor.u32 $0x200, v2;
	v21 =	vor.u32 $0xA0, v0;
	s4 =	sadd.s32 s15, s12;
	s15 =	sadd.s32 s9, s14;
	[dreg:$0x1d] =	wrdreg s2  }
0x43: {  	v22 =	vor.u32 $0xA1, v0;
	v24 =	vor.u32 $0x280, v2;
	v25 =	vor.u32 $0xC0, v0;
	[dreg:$0x1e] =	wrdreg s1;
	s1 =	simm.s32 $0x8300;
	s2 =	simm.s32 $0x800  }
0x44: {  	v26 =	vor.u32 $0xC1, v0;
	v28 =	vor.u32 $0x300, v2;
	v29 =	vor.u32 $0xE0, v0;
	s9 =	simm.s32 $0x4000;
	s12 =	simm.s32 $0x17F00;
	[dreg:$0x18] =	wrdreg s4  }
0x45: {  	v30 =	vor.u32 $0xE1, v0;
	v32 =	vor.u32 $0x380, v2;
	v7 =	vor.u32 $0x40, v1;
	[dreg:$0x19] =	wrdreg s15;
	s4 =	sadd.s32 s16, s14;
	s14 =	simm.s32 $0x0  }
0x46: {  	v11 =	vor.u32 $0x80, v1;
	v15 =	vor.u32 $0xC0, v1;
	v19 =	vor.u32 $0x100, v1;
	[dreg:$0x1a] =	wrdreg s4;
	s4 =	sadd.s32 s17, s22;
	s22 =	sadd.s32 s20, s25  }
0x47: {  	v23 =	vor.u32 $0x140, v1;
	v27 =	vor.u32 $0x180, v1;
	v31 =	vor.u32 $0x1C0, v1;
	s25 =	simm.s32 $0x80;
	[dreg:$0x1c] =	wrdreg s4;
	s4 =	simm.s32 $0x8700  }
.LBB3_1:
0x48: {  	s15 =	rddreg [dreg:$0x1d]  }
0x49: {  	[tilespmem:s0], [sflag:$0x1] =	stream.linear.gather [hbm4b:s15+s0], $0x80, $0x38;
	[tilespmem:$0x1AF00] =	vst v63  }
0x4a: {  	_ =	swait.ge [sflag:s24], $0x80  }
0x4b: {  	[sflag:s24] =	ssyncset.done $0x0  }
0x4c: {  	s17 =	rddreg [dreg:$0x1e];
	[sflag:s24] =	ssyncadd.s32 $0xFFFFFF80  }
0x4d: {  	[tilespmem:s25], [sflag:$0x1] =	stream.linear.gather [hbm4b:s17+s0], $0x80, $0x38;
	[tilespmem:$0x1AF00] =	vst v63  }
0x4e: {  	_ =	swait.ge [sflag:s24], $0x80  }
0x4f: {  	[sflag:s24] =	ssyncset.done $0x0  }
0x50: {  	s19 =	rddreg [dreg:$0xf];
	[sflag:s24] =	ssyncadd.s32 $0xFFFFFF80  }
0x51: {  	[tilespmem:s26], [sflag:$0x1] =	stream.linear.gather [hbm4b:s19+s0], $0x100, $0x38;
	[tilespmem:$0x1AF00] =	vst v63  }
0x52: {  	_ =	swait.ge [sflag:s24], $0x100  }
0x53: {  	[sflag:s24] =	ssyncset.done $0x0  }
0x54: {  	s20 =	rddreg [dreg:$0x10];
	[sflag:s24] =	ssyncadd.s32 $0xFFFFFF00  }
0x55: {  	[tilespmem:s28], [sflag:$0x1] =	stream.linear.gather [hbm4b:s20+s0], $0x100, $0x38;
	[tilespmem:$0x1AF00] =	vst v63  }
0x56: {  	_ =	swait.ge [sflag:s24], $0x100  }
0x57: {  	[sflag:s24] =	ssyncset.done $0x0  }
0x58: {  	s16 =	rddreg [dreg:$0x11];
	[sflag:s24] =	ssyncadd.s32 $0xFFFFFF00  }
0x59: {  	[tilespmem:s29], [sflag:$0x1] =	stream.linear.gather [hbm4b:s16+s0], $0x200, $0x38;
	[tilespmem:$0x1AF00] =	vst v63  }
0x5a: {  	_ =	swait.ge [sflag:s24], $0x200  }
0x5b: {  	[sflag:s24] =	ssyncset.done $0x0  }
0x5c: {  	s17 =	rddreg [dreg:$0x12];
	[sflag:s24] =	ssyncadd.s32 $0xFFFFFE00  }
0x5d: {  	[tilespmem:s30], [sflag:$0x1] =	stream.linear.gather [hbm4b:s17+s0], $0x200, $0x38;
	[tilespmem:$0x1AF00] =	vst v63  }
0x5e: {  	_ =	swait.ge [sflag:s24], $0x200  }
0x5f: {  	[sflag:s24] =	ssyncset.done $0x0  }
0x60: {  	s19 =	rddreg [dreg:$0x13];
	[sflag:s24] =	ssyncadd.s32 $0xFFFFFE00  }
0x61: {  	[tilespmem:s31], [sflag:$0x1] =	stream.linear.gather [hbm4b:s19+s0], $0x400, $0x38;
	[tilespmem:$0x1AF00] =	vst v63  }
0x62: {  	_ =	swait.ge [sflag:s24], $0x400  }
0x63: {  	[sflag:s24] =	ssyncset.done $0x0  }
0x64: {  	s20 =	rddreg [dreg:$0x14];
	[sflag:s24] =	ssyncadd.s32 $0xFFFFFC00  }
0x65: {  	[tilespmem:s1], [sflag:$0x1] =	stream.linear.gather [hbm4b:s20+s0], $0x400, $0x38;
	[tilespmem:$0x1AF00] =	vst v63  }
0x66: {  	_ =	swait.ge [sflag:s24], $0x400  }
0x67: {  	[sflag:s24] =	ssyncset.done $0x0  }
0x68: {  	s16 =	rddreg [dreg:$0x15];
	[sflag:s24] =	ssyncadd.s32 $0xFFFFFC00  }
0x69: {  	[tilespmem:s2], [sflag:$0x1] =	stream.linear.gather [hbm4b:s16+s0], $0x800, $0x38;
	[tilespmem:$0x1AF00] =	vst v63  }
0x6a: {  	_ =	swait.ge [sflag:s24], $0x800  }
0x6b: {  	[sflag:s24] =	ssyncset.done $0x0  }
0x6c: {  	s17 =	rddreg [dreg:$0x16];
	[sflag:s24] =	ssyncadd.s32 $0xFFFFF800  }
0x6d: {  	[tilespmem:s4], [sflag:$0x1] =	stream.linear.gather [hbm4b:s17+s0], $0x800, $0x38;
	[tilespmem:$0x1AF00] =	vst v63  }
0x6e: {  	_ =	swait.ge [sflag:s24], $0x800  }
0x6f: {  	[sflag:s24] =	ssyncset.done $0x0  }
0x70: {  	s19 =	rddreg [dreg:$0x17];
	[sflag:s24] =	ssyncadd.s32 $0xFFFFF800  }
0x71: {  	[tilespmem:s5], [sflag:$0x1] =	stream.linear.gather [hbm4b:s19+s0], $0x1000, $0x38;
	[tilespmem:$0x1AF00] =	vst v63  }
0x72: {  	_ =	swait.ge [sflag:s24], $0x1000  }
0x73: {  	[sflag:s24] =	ssyncset.done $0x0  }
0x74: {  	s20 =	rddreg [dreg:$0x18];
	[sflag:s24] =	ssyncadd.s32 $0xFFFFF000  }
0x75: {  	[tilespmem:s6], [sflag:$0x1] =	stream.linear.gather [hbm4b:s20+s0], $0x1000, $0x38;
	[tilespmem:$0x1AF00] =	vst v63  }
0x76: {  	_ =	swait.ge [sflag:s24], $0x1000  }
0x77: {  	[sflag:s24] =	ssyncset.done $0x0  }
0x78: {  	s16 =	rddreg [dreg:$0x19];
	[sflag:s24] =	ssyncadd.s32 $0xFFFFF000  }
0x79: {  	[tilespmem:s7], [sflag:$0x1] =	stream.linear.gather [hbm4b:s16+s0], $0x2000, $0x38;
	[tilespmem:$0x1AF00] =	vst v63  }
0x7a: {  	_ =	swait.ge [sflag:s24], $0x2000  }
0x7b: {  	[sflag:s24] =	ssyncset.done $0x0  }
0x7c: {  	s17 =	rddreg [dreg:$0x1a];
	[sflag:s24] =	ssyncadd.s32 $0xFFFFE000  }
0x7d: {  	[tilespmem:s8], [sflag:$0x1] =	stream.linear.gather [hbm4b:s17+s0], $0x2000, $0x38;
	[tilespmem:$0x1AF00] =	vst v63  }
0x7e: {  	_ =	swait.ge [sflag:s24], $0x2000  }
0x7f: {  	[sflag:s24] =	ssyncset.done $0x0  }
0x80: {  	s19 =	rddreg [dreg:$0x1b];
	[sflag:s24] =	ssyncadd.s32 $0xFFFFE000  }
0x81: {  	[tilespmem:s9], [sflag:$0x1] =	stream.linear.gather [hbm4b:s19+s0], $0x4000, $0x38;
	[tilespmem:$0x1AF00] =	vst v63  }
0x82: {  	_ =	swait.ge [sflag:s24], $0x4000  }
0x83: {  	[sflag:s24] =	ssyncset.done $0x0  }
0x84: {  	s20 =	rddreg [dreg:$0x1c];
	[sflag:s24] =	ssyncadd.s32 $0xFFFFC000  }
0x85: {  	[tilespmem:s10], [sflag:$0x1] =	stream.linear.gather [hbm4b:s20+s0], $0x4000, $0x38;
	[tilespmem:$0x1AF00] =	vst v63  }
0x86: {  	_ =	swait.ge [sflag:s24], $0x4000  }
0x87: {  	[sflag:s24] =	ssyncset.done $0x0  }
0x88: {  	[sflag:s24] =	ssyncadd.s32 $0xFFFFC000  }
0x89: {  	[tilespmem:s11], [sflag:$0x1] =	stream.linear.gather [hbm4b:s21+s0], $0x8000, $0x38;
	[tilespmem:$0x1AF00] =	vst v63  }
0x8a: {  	_ =	swait.ge [sflag:s24], $0x8000  }
0x8b: {  	[sflag:s24] =	ssyncset.done $0x0  }
0x8c: {  	s15 =	simm.s32 $0x0;
	[sflag:s24] =	ssyncadd.s32 $0xFFFF8000  }
.LBB3_2:
0x8d: {  	s16 =	sshll.u32 s15, $0x5  }
0x8e: {  	s16 =	sadd.s32 s18, s16  }
0x8f: {  	s17 =	sshll.u32 s16, $0x5  }
0x90: {  	s19 =	sadd.s32 s3, s17;
	s17 =	simm.s32 $0x0  }
0x91: {  	[tilespmem:s12], [sflag:$0x1] =	stream.linear.gather [hbm4b:s19+s17], $0x2000, $0x38;
	[tilespmem:$0x1AF00] =	vst v63  }
0x92: {  	_ =	swait.ge [sflag:s24], $0x2000  }
0x93: {  	[sflag:s24] =	ssyncset.done $0x0  }
0x94: {  	s19 =	simm.s32 $0x19F40;
	[sflag:s24] =	ssyncadd.s32 $0xFFFFE000  }
.LBB3_3:
0x95: {  	v33 =	vld [tilespmem:$0x0];
	_ =	sdelay $0x4  }
0x96: {  	s20 =	sshll.u32 s17, $0x8;
	v34 =	vand.u32 $0xFFFFFFF8, v33  }
0x97: {  	v33 =	vand.u32 $0x7, v33;
	v34 =	vadd.s32 s20, v34  }
0x98: {  	v33 =	vor.u32 v33, v34;
	_ =	sdelay $0x3  }
0x99: {  	v43 =	vld [tilespmem:$0x80]  }
0x9a: {  	v33 =	vld.idx.msk [tilespmem:v33+s12+$0x0], $0xffff;
	_ =	sdelay $0x4  }
0x9b: {  	vm0 =	vge.f32 v33, v43  }
0x9c: {  	v33 =	vsel vm0, v3, v0;
	_ =	sdelay $0x4  }
0x9d: {  	v44 =	vld.idx.msk [tilespmem:v33+s26+$0x0], $0xffff;
	_ =	sdelay $0x4  }
0x9e: {  	v35 =	vand.u32 $0xFFFFFFF8, v44  }
0x9f: {  	v34 =	vand.u32 $0x7, v44;
	v35 =	vadd.s32 s20, v35  }
0xa0: {  	v34 =	vor.u32 v34, v35;
	_ =	sdelay $0x3  }
0xa1: {  	v45 =	vld.idx.msk [tilespmem:v33+s28+$0x0], $0xffff  }
0xa2: {  	v34 =	vld.idx.msk [tilespmem:v34+s12+$0x0], $0xffff;
	_ =	sdelay $0x4  }
0xa3: {  	vm13 =	vge.f32 v34, v45  }
0xa4: {  	v46 =	vshll.u32 v33, $0x1;
	v35 =	vsel vm13, $0x1, v4  }
0xa5: {  	v34 =	vor.u32 v35, v46  }
0xa6: {  	v35 =	vand.u32 $0x7, v34  }
0xa7: {  	v35 =	vor.u32 v1, v35;
	_ =	sdelay $0x4  }
0xa8: {  	v36 =	vld.idx.msk [tilespmem:v35+s29+$0x0], $0xffff;
	_ =	sdelay $0x4  }
0xa9: {  	v37 =	vand.u32 $0xFFFFFFF8, v36  }
0xaa: {  	v36 =	vand.u32 $0x7, v36;
	v37 =	vadd.s32 s20, v37  }
0xab: {  	v36 =	vor.u32 v36, v37;
	_ =	sdelay $0x3  }
0xac: {  	v35 =	vld.idx.msk [tilespmem:v35+s30+$0x0], $0xffff  }
0xad: {  	v36 =	vld.idx.msk [tilespmem:v36+s12+$0x0], $0xffff;
	_ =	sdelay $0x4  }
0xae: {  	vm14 =	vge.f32 v36, v35  }
0xaf: {  	v47 =	vshll.u32 v34, $0x1;
	v36 =	vsel vm14, $0x1, v4  }
0xb0: {  	v35 =	vor.u32 v36, v47  }
0xb1: {  	v36 =	vand.u32 $0x7, v35  }
0xb2: {  	v36 =	vor.u32 v2, v36;
	_ =	sdelay $0x4  }
0xb3: {  	v48 =	vld.idx.msk [tilespmem:v36+s31+$0x0], $0xffff;
	_ =	sdelay $0x4  }
0xb4: {  	v38 =	vand.u32 $0xFFFFFFF8, v48  }
0xb5: {  	v37 =	vand.u32 $0x7, v48;
	v38 =	vadd.s32 s20, v38  }
0xb6: {  	v37 =	vor.u32 v37, v38;
	_ =	sdelay $0x3  }
0xb7: {  	v36 =	vld.idx.msk [tilespmem:v36+s1+$0x0], $0xffff  }
0xb8: {  	v37 =	vld.idx.msk [tilespmem:v37+s12+$0x0], $0xffff;
	_ =	sdelay $0x4  }
0xb9: {  	vm15 =	vge.f32 v37, v36  }
0xba: {  	v35 =	vshll.u32 v35, $0x1;
	v36 =	vsel vm15, $0x1, v4  }
0xbb: {  	v35 =	vor.u32 v36, v35  }
0xbc: {  	v33 =	vshll.u32 v33, $0x3;
	v36 =	vand.u32 $0x7, v35  }
0xbd: {  	v33 =	vor.u32 v33, v36;
	_ =	sdelay $0x4  }
0xbe: {  	v36 =	vld.idx.msk [tilespmem:v33+s2+$0x0], $0xffff;
	_ =	sdelay $0x4  }
0xbf: {  	v49 =	vand.u32 $0xFFFFFFF8, v36  }
0xc0: {  	v36 =	vand.u32 $0x7, v36;
	v37 =	vadd.s32 s20, v49  }
0xc1: {  	v36 =	vor.u32 v36, v37;
	_ =	sdelay $0x3  }
0xc2: {  	v33 =	vld.idx.msk [tilespmem:v33+s4+$0x0], $0xffff  }
0xc3: {  	v36 =	vld.idx.msk [tilespmem:v36+s12+$0x0], $0xffff;
	_ =	sdelay $0x4  }
0xc4: {  	vm4 =	vge.f32 v36, v33  }
0xc5: {  	v50 =	vshll.u32 v35, $0x1;
	v51 =	vsel vm4, $0x1, v4  }
0xc6: {  	v33 =	vor.u32 v51, v50  }
0xc7: {  	v34 =	vshll.u32 v34, $0x3;
	v35 =	vand.u32 $0x7, v33  }
0xc8: {  	v34 =	vor.u32 v34, v35;
	_ =	sdelay $0x4  }
0xc9: {  	v35 =	vld.idx.msk [tilespmem:v34+s5+$0x0], $0xffff;
	_ =	sdelay $0x4  }
0xca: {  	v52 =	vand.u32 $0xFFFFFFF8, v35  }
0xcb: {  	v35 =	vand.u32 $0x7, v35;
	v36 =	vadd.s32 s20, v52  }
0xcc: {  	v35 =	vor.u32 v35, v36;
	_ =	sdelay $0x3  }
0xcd: {  	v34 =	vld.idx.msk [tilespmem:v34+s6+$0x0], $0xffff  }
0xce: {  	v35 =	vld.idx.msk [tilespmem:v35+s12+$0x0], $0xffff;
	_ =	sdelay $0x4  }
0xcf: {  	vm5 =	vge.f32 v35, v34  }
0xd0: {  	v33 =	vshll.u32 v33, $0x1;
	v34 =	vsel vm5, $0x1, v4  }
0xd1: {  	v33 =	vor.u32 v34, v33;
	_ =	sdelay $0x4  }
0xd2: {  	v34 =	vld.idx.msk [tilespmem:v33+s7+$0x0], $0xffff;
	_ =	sdelay $0x4  }
0xd3: {  	v53 =	vand.u32 $0xFFFFFFF8, v34  }
0xd4: {  	v34 =	vand.u32 $0x7, v34;
	v35 =	vadd.s32 s20, v53  }
0xd5: {  	v34 =	vor.u32 v34, v35;
	_ =	sdelay $0x3  }
0xd6: {  	v54 =	vld.idx.msk [tilespmem:v33+s8+$0x0], $0xffff  }
0xd7: {  	v34 =	vld.idx.msk [tilespmem:v34+s12+$0x0], $0xffff;
	_ =	sdelay $0x4  }
0xd8: {  	vm6 =	vge.f32 v34, v54  }
0xd9: {  	v33 =	vshll.u32 v33, $0x1;
	v34 =	vsel vm6, $0x1, v4  }
0xda: {  	v33 =	vor.u32 v34, v33;
	_ =	sdelay $0x4  }
0xdb: {  	v34 =	vld.idx.msk [tilespmem:v33+s9+$0x0], $0xffff;
	_ =	sdelay $0x4  }
0xdc: {  	v55 =	vand.u32 $0xFFFFFFF8, v34  }
0xdd: {  	v34 =	vand.u32 $0x7, v34;
	v35 =	vadd.s32 s20, v55  }
0xde: {  	v34 =	vor.u32 v34, v35;
	_ =	sdelay $0x3  }
0xdf: {  	v56 =	vld.idx.msk [tilespmem:v33+s10+$0x0], $0xffff  }
0xe0: {  	v34 =	vld.idx.msk [tilespmem:v34+s12+$0x0], $0xffff;
	_ =	sdelay $0x4  }
0xe1: {  	vm7 =	vge.f32 v34, v56  }
0xe2: {  	v33 =	vshll.u32 v33, $0x1;
	v34 =	vsel vm7, $0x1, v4  }
0xe3: {  	v33 =	vor.u32 v34, v33;
	_ =	sdelay $0x4  }
0xe4: {  	v33 =	vld.idx.msk [tilespmem:v33+s11+$0x0], $0xffff;
	_ =	sdelay $0x4  }
0xe5: {  	[tilespmem:s19+$0xFFFFFFC0] =	vst v33  }
0xe6: {  	v33 =	vld [tilespmem:$0x10];
	_ =	sdelay $0x4  }
0xe7: {  	v57 =	vand.u32 $0xFFFFFFF8, v33  }
0xe8: {  	v33 =	vand.u32 $0x7, v33;
	v34 =	vadd.s32 s20, v57  }
0xe9: {  	v33 =	vor.u32 v33, v34;
	_ =	sdelay $0x3  }
0xea: {  	v58 =	vld [tilespmem:$0x90]  }
0xeb: {  	v33 =	vld.idx.msk [tilespmem:v33+s12+$0x0], $0xffff;
	_ =	sdelay $0x4  }
0xec: {  	vm8 =	vge.f32 v33, v58  }
0xed: {  	v33 =	vsel vm8, v6, v5;
	_ =	sdelay $0x4  }
0xee: {  	v59 =	vld.idx.msk [tilespmem:v33+s26+$0x0], $0xffff;
	_ =	sdelay $0x4  }
0xef: {  	v60 =	vand.u32 $0xFFFFFFF8, v59  }
0xf0: {  	v34 =	vand.u32 $0x7, v59;
	v35 =	vadd.s32 s20, v60  }
0xf1: {  	v34 =	vor.u32 v34, v35;
	_ =	sdelay $0x3  }
0xf2: {  	v61 =	vld.idx.msk [tilespmem:v33+s28+$0x0], $0xffff  }
0xf3: {  	v34 =	vld.idx.msk [tilespmem:v34+s12+$0x0], $0xffff;
	_ =	sdelay $0x4  }
0xf4: {  	vm9 =	vge.f32 v34, v61  }
0xf5: {  	v62 =	vshll.u32 v33, $0x1;
	v35 =	vsel vm9, $0x1, v4  }
0xf6: {  	v34 =	vor.u32 v35, v62  }
0xf7: {  	v35 =	vand.u32 $0x7, v34  }
0xf8: {  	v35 =	vor.u32 v7, v35;
	_ =	sdelay $0x4  }
0xf9: {  	v63 =	vld.idx.msk [tilespmem:v35+s29+$0x0], $0xffff;
	_ =	sdelay $0x4  }
0xfa: {  	v40 =	vand.u32 $0xFFFFFFF8, v63  }
0xfb: {  	v36 =	vand.u32 $0x7, v63;
	v37 =	vadd.s32 s20, v40  }
0xfc: {  	v36 =	vor.u32 v36, v37;
	_ =	sdelay $0x3  }
0xfd: {  	v35 =	vld.idx.msk [tilespmem:v35+s30+$0x0], $0xffff  }
0xfe: {  	v36 =	vld.idx.msk [tilespmem:v36+s12+$0x0], $0xffff;
	_ =	sdelay $0x4  }
0xff: {  	vm10 =	vge.f32 v36, v35  }
0x100: {  	v41 =	vshll.u32 v34, $0x1;
	v36 =	vsel vm10, $0x1, v4  }
0x101: {  	v35 =	vor.u32 v36, v41  }
0x102: {  	v36 =	vand.u32 $0x7, v35  }
0x103: {  	v36 =	vor.u32 v8, v36;
	_ =	sdelay $0x4  }
0x104: {  	v42 =	vld.idx.msk [tilespmem:v36+s31+$0x0], $0xffff;
	_ =	sdelay $0x4  }
0x105: {  	v43 =	vand.u32 $0xFFFFFFF8, v42  }
0x106: {  	v37 =	vand.u32 $0x7, v42;
	v38 =	vadd.s32 s20, v43  }
0x107: {  	v37 =	vor.u32 v37, v38;
	_ =	sdelay $0x3  }
0x108: {  	v36 =	vld.idx.msk [tilespmem:v36+s1+$0x0], $0xffff  }
0x109: {  	v37 =	vld.idx.msk [tilespmem:v37+s12+$0x0], $0xffff;
	_ =	sdelay $0x4  }
0x10a: {  	vm11 =	vge.f32 v37, v36  }
0x10b: {  	v35 =	vshll.u32 v35, $0x1;
	v36 =	vsel vm11, $0x1, v4  }
0x10c: {  	v35 =	vor.u32 v36, v35  }
0x10d: {  	v33 =	vshll.u32 v33, $0x3;
	v36 =	vand.u32 $0x7, v35  }
0x10e: {  	v33 =	vor.u32 v33, v36;
	_ =	sdelay $0x4  }
0x10f: {  	v36 =	vld.idx.msk [tilespmem:v33+s2+$0x0], $0xffff;
	_ =	sdelay $0x4  }
0x110: {  	v44 =	vand.u32 $0xFFFFFFF8, v36  }
0x111: {  	v36 =	vand.u32 $0x7, v36;
	v37 =	vadd.s32 s20, v44  }
0x112: {  	v36 =	vor.u32 v36, v37;
	_ =	sdelay $0x3  }
0x113: {  	v33 =	vld.idx.msk [tilespmem:v33+s4+$0x0], $0xffff  }
0x114: {  	v36 =	vld.idx.msk [tilespmem:v36+s12+$0x0], $0xffff;
	_ =	sdelay $0x4  }
0x115: {  	vm12 =	vge.f32 v36, v33  }
0x116: {  	v45 =	vshll.u32 v35, $0x1;
	v46 =	vsel vm12, $0x1, v4  }
0x117: {  	v33 =	vor.u32 v46, v45  }
0x118: {  	v34 =	vshll.u32 v34, $0x3;
	v35 =	vand.u32 $0x7, v33  }
0x119: {  	v34 =	vor.u32 v34, v35;
	_ =	sdelay $0x4  }
0x11a: {  	v35 =	vld.idx.msk [tilespmem:v34+s5+$0x0], $0xffff;
	_ =	sdelay $0x4  }
0x11b: {  	v47 =	vand.u32 $0xFFFFFFF8, v35  }
0x11c: {  	v35 =	vand.u32 $0x7, v35;
	v36 =	vadd.s32 s20, v47  }
0x11d: {  	v35 =	vor.u32 v35, v36;
	_ =	sdelay $0x3  }
0x11e: {  	v34 =	vld.idx.msk [tilespmem:v34+s6+$0x0], $0xffff  }
0x11f: {  	v35 =	vld.idx.msk [tilespmem:v35+s12+$0x0], $0xffff;
	_ =	sdelay $0x4  }
0x120: {  	vm13 =	vge.f32 v35, v34  }
0x121: {  	v33 =	vshll.u32 v33, $0x1;
	v34 =	vsel vm13, $0x1, v4  }
0x122: {  	v33 =	vor.u32 v34, v33;
	_ =	sdelay $0x4  }
0x123: {  	v34 =	vld.idx.msk [tilespmem:v33+s7+$0x0], $0xffff;
	_ =	sdelay $0x4  }
0x124: {  	v48 =	vand.u32 $0xFFFFFFF8, v34  }
0x125: {  	v34 =	vand.u32 $0x7, v34;
	v35 =	vadd.s32 s20, v48  }
0x126: {  	v34 =	vor.u32 v34, v35;
	_ =	sdelay $0x3  }
0x127: {  	v49 =	vld.idx.msk [tilespmem:v33+s8+$0x0], $0xffff  }
0x128: {  	v34 =	vld.idx.msk [tilespmem:v34+s12+$0x0], $0xffff;
	_ =	sdelay $0x4  }
0x129: {  	vm14 =	vge.f32 v34, v49  }
0x12a: {  	v33 =	vshll.u32 v33, $0x1;
	v34 =	vsel vm14, $0x1, v4  }
0x12b: {  	v33 =	vor.u32 v34, v33;
	_ =	sdelay $0x4  }
0x12c: {  	v34 =	vld.idx.msk [tilespmem:v33+s9+$0x0], $0xffff;
	_ =	sdelay $0x4  }
0x12d: {  	v50 =	vand.u32 $0xFFFFFFF8, v34  }
0x12e: {  	v34 =	vand.u32 $0x7, v34;
	v35 =	vadd.s32 s20, v50  }
0x12f: {  	v34 =	vor.u32 v34, v35;
	_ =	sdelay $0x3  }
0x130: {  	v51 =	vld.idx.msk [tilespmem:v33+s10+$0x0], $0xffff  }
0x131: {  	v34 =	vld.idx.msk [tilespmem:v34+s12+$0x0], $0xffff;
	_ =	sdelay $0x4  }
0x132: {  	vm15 =	vge.f32 v34, v51  }
0x133: {  	v33 =	vshll.u32 v33, $0x1;
	v34 =	vsel vm15, $0x1, v4  }
0x134: {  	v33 =	vor.u32 v34, v33;
	_ =	sdelay $0x4  }
0x135: {  	v33 =	vld.idx.msk [tilespmem:v33+s11+$0x0], $0xffff;
	_ =	sdelay $0x4  }
0x136: {  	[tilespmem:s19+$0xFFFFFFD0] =	vst v33  }
0x137: {  	v33 =	vld [tilespmem:$0x20];
	_ =	sdelay $0x4  }
0x138: {  	v52 =	vand.u32 $0xFFFFFFF8, v33  }
0x139: {  	v33 =	vand.u32 $0x7, v33;
	v34 =	vadd.s32 s20, v52  }
0x13a: {  	v33 =	vor.u32 v33, v34;
	_ =	sdelay $0x3  }
0x13b: {  	v53 =	vld [tilespmem:$0xA0]  }
0x13c: {  	v33 =	vld.idx.msk [tilespmem:v33+s12+$0x0], $0xffff;
	_ =	sdelay $0x4  }
0x13d: {  	vm4 =	vge.f32 v33, v53  }
0x13e: {  	v33 =	vsel vm4, v10, v9;
	_ =	sdelay $0x4  }
0x13f: {  	v54 =	vld.idx.msk [tilespmem:v33+s26+$0x0], $0xffff;
	_ =	sdelay $0x4  }
0x140: {  	v55 =	vand.u32 $0xFFFFFFF8, v54  }
0x141: {  	v34 =	vand.u32 $0x7, v54;
	v35 =	vadd.s32 s20, v55  }
0x142: {  	v34 =	vor.u32 v34, v35;
	_ =	sdelay $0x3  }
0x143: {  	v56 =	vld.idx.msk [tilespmem:v33+s28+$0x0], $0xffff  }
0x144: {  	v34 =	vld.idx.msk [tilespmem:v34+s12+$0x0], $0xffff;
	_ =	sdelay $0x4  }
0x145: {  	vm5 =	vge.f32 v34, v56  }
0x146: {  	v57 =	vshll.u32 v33, $0x1;
	v35 =	vsel vm5, $0x1, v4  }
0x147: {  	v34 =	vor.u32 v35, v57  }
0x148: {  	v35 =	vand.u32 $0x7, v34  }
0x149: {  	v35 =	vor.u32 v11, v35;
	_ =	sdelay $0x4  }
0x14a: {  	v58 =	vld.idx.msk [tilespmem:v35+s29+$0x0], $0xffff;
	_ =	sdelay $0x4  }
0x14b: {  	v59 =	vand.u32 $0xFFFFFFF8, v58  }
0x14c: {  	v36 =	vand.u32 $0x7, v58;
	v37 =	vadd.s32 s20, v59  }
0x14d: {  	v36 =	vor.u32 v36, v37;
	_ =	sdelay $0x3  }
0x14e: {  	v35 =	vld.idx.msk [tilespmem:v35+s30+$0x0], $0xffff  }
0x14f: {  	v36 =	vld.idx.msk [tilespmem:v36+s12+$0x0], $0xffff;
	_ =	sdelay $0x4  }
0x150: {  	vm6 =	vge.f32 v36, v35  }
0x151: {  	v60 =	vshll.u32 v34, $0x1;
	v36 =	vsel vm6, $0x1, v4  }
0x152: {  	v35 =	vor.u32 v36, v60  }
0x153: {  	v36 =	vand.u32 $0x7, v35  }
0x154: {  	v36 =	vor.u32 v12, v36;
	_ =	sdelay $0x4  }
0x155: {  	v61 =	vld.idx.msk [tilespmem:v36+s31+$0x0], $0xffff;
	_ =	sdelay $0x4  }
0x156: {  	v62 =	vand.u32 $0xFFFFFFF8, v61  }
0x157: {  	v37 =	vand.u32 $0x7, v61;
	v38 =	vadd.s32 s20, v62  }
0x158: {  	v37 =	vor.u32 v37, v38;
	_ =	sdelay $0x3  }
0x159: {  	v36 =	vld.idx.msk [tilespmem:v36+s1+$0x0], $0xffff  }
0x15a: {  	v37 =	vld.idx.msk [tilespmem:v37+s12+$0x0], $0xffff;
	_ =	sdelay $0x4  }
0x15b: {  	vm7 =	vge.f32 v37, v36  }
0x15c: {  	v35 =	vshll.u32 v35, $0x1;
	v36 =	vsel vm7, $0x1, v4  }
0x15d: {  	v35 =	vor.u32 v36, v35  }
0x15e: {  	v33 =	vshll.u32 v33, $0x3;
	v36 =	vand.u32 $0x7, v35  }
0x15f: {  	v33 =	vor.u32 v33, v36;
	_ =	sdelay $0x4  }
0x160: {  	v36 =	vld.idx.msk [tilespmem:v33+s2+$0x0], $0xffff;
	_ =	sdelay $0x4  }
0x161: {  	v63 =	vand.u32 $0xFFFFFFF8, v36  }
0x162: {  	v36 =	vand.u32 $0x7, v36;
	v37 =	vadd.s32 s20, v63  }
0x163: {  	v36 =	vor.u32 v36, v37;
	_ =	sdelay $0x3  }
0x164: {  	v33 =	vld.idx.msk [tilespmem:v33+s4+$0x0], $0xffff  }
0x165: {  	v36 =	vld.idx.msk [tilespmem:v36+s12+$0x0], $0xffff;
	_ =	sdelay $0x4  }
0x166: {  	vm8 =	vge.f32 v36, v33  }
0x167: {  	v40 =	vshll.u32 v35, $0x1;
	v41 =	vsel vm8, $0x1, v4  }
0x168: {  	v33 =	vor.u32 v41, v40  }
0x169: {  	v34 =	vshll.u32 v34, $0x3;
	v35 =	vand.u32 $0x7, v33  }
0x16a: {  	v34 =	vor.u32 v34, v35;
	_ =	sdelay $0x4  }
0x16b: {  	v35 =	vld.idx.msk [tilespmem:v34+s5+$0x0], $0xffff;
	_ =	sdelay $0x4  }
0x16c: {  	v42 =	vand.u32 $0xFFFFFFF8, v35  }
0x16d: {  	v35 =	vand.u32 $0x7, v35;
	v36 =	vadd.s32 s20, v42  }
0x16e: {  	v35 =	vor.u32 v35, v36;
	_ =	sdelay $0x3  }
0x16f: {  	v34 =	vld.idx.msk [tilespmem:v34+s6+$0x0], $0xffff  }
0x170: {  	v35 =	vld.idx.msk [tilespmem:v35+s12+$0x0], $0xffff;
	_ =	sdelay $0x4  }
0x171: {  	vm9 =	vge.f32 v35, v34  }
0x172: {  	v33 =	vshll.u32 v33, $0x1;
	v34 =	vsel vm9, $0x1, v4  }
0x173: {  	v33 =	vor.u32 v34, v33;
	_ =	sdelay $0x4  }
0x174: {  	v34 =	vld.idx.msk [tilespmem:v33+s7+$0x0], $0xffff;
	_ =	sdelay $0x4  }
0x175: {  	v43 =	vand.u32 $0xFFFFFFF8, v34  }
0x176: {  	v34 =	vand.u32 $0x7, v34;
	v35 =	vadd.s32 s20, v43  }
0x177: {  	v34 =	vor.u32 v34, v35;
	_ =	sdelay $0x3  }
0x178: {  	v44 =	vld.idx.msk [tilespmem:v33+s8+$0x0], $0xffff  }
0x179: {  	v34 =	vld.idx.msk [tilespmem:v34+s12+$0x0], $0xffff;
	_ =	sdelay $0x4  }
0x17a: {  	vm10 =	vge.f32 v34, v44  }
0x17b: {  	v33 =	vshll.u32 v33, $0x1;
	v34 =	vsel vm10, $0x1, v4  }
0x17c: {  	v33 =	vor.u32 v34, v33;
	_ =	sdelay $0x4  }
0x17d: {  	v34 =	vld.idx.msk [tilespmem:v33+s9+$0x0], $0xffff;
	_ =	sdelay $0x4  }
0x17e: {  	v45 =	vand.u32 $0xFFFFFFF8, v34  }
0x17f: {  	v34 =	vand.u32 $0x7, v34;
	v35 =	vadd.s32 s20, v45  }
0x180: {  	v34 =	vor.u32 v34, v35;
	_ =	sdelay $0x3  }
0x181: {  	v46 =	vld.idx.msk [tilespmem:v33+s10+$0x0], $0xffff  }
0x182: {  	v34 =	vld.idx.msk [tilespmem:v34+s12+$0x0], $0xffff;
	_ =	sdelay $0x4  }
0x183: {  	vm11 =	vge.f32 v34, v46  }
0x184: {  	v33 =	vshll.u32 v33, $0x1;
	v34 =	vsel vm11, $0x1, v4  }
0x185: {  	v33 =	vor.u32 v34, v33;
	_ =	sdelay $0x4  }
0x186: {  	v33 =	vld.idx.msk [tilespmem:v33+s11+$0x0], $0xffff;
	_ =	sdelay $0x4  }
0x187: {  	[tilespmem:s19+$0xFFFFFFE0] =	vst v33  }
0x188: {  	v33 =	vld [tilespmem:$0x30];
	_ =	sdelay $0x4  }
0x189: {  	v47 =	vand.u32 $0xFFFFFFF8, v33  }
0x18a: {  	v33 =	vand.u32 $0x7, v33;
	v34 =	vadd.s32 s20, v47  }
0x18b: {  	v33 =	vor.u32 v33, v34;
	_ =	sdelay $0x3  }
0x18c: {  	v48 =	vld [tilespmem:$0xB0]  }
0x18d: {  	v33 =	vld.idx.msk [tilespmem:v33+s12+$0x0], $0xffff;
	_ =	sdelay $0x4  }
0x18e: {  	vm12 =	vge.f32 v33, v48  }
0x18f: {  	v33 =	vsel vm12, v14, v13;
	_ =	sdelay $0x4  }
0x190: {  	v49 =	vld.idx.msk [tilespmem:v33+s26+$0x0], $0xffff;
	_ =	sdelay $0x4  }
0x191: {  	v50 =	vand.u32 $0xFFFFFFF8, v49  }
0x192: {  	v34 =	vand.u32 $0x7, v49;
	v35 =	vadd.s32 s20, v50  }
0x193: {  	v34 =	vor.u32 v34, v35;
	_ =	sdelay $0x3  }
0x194: {  	v51 =	vld.idx.msk [tilespmem:v33+s28+$0x0], $0xffff  }
0x195: {  	v34 =	vld.idx.msk [tilespmem:v34+s12+$0x0], $0xffff;
	_ =	sdelay $0x4  }
0x196: {  	vm13 =	vge.f32 v34, v51  }
0x197: {  	v52 =	vshll.u32 v33, $0x1;
	v35 =	vsel vm13, $0x1, v4  }
0x198: {  	v34 =	vor.u32 v35, v52  }
0x199: {  	v35 =	vand.u32 $0x7, v34  }
0x19a: {  	v35 =	vor.u32 v15, v35;
	_ =	sdelay $0x4  }
0x19b: {  	v53 =	vld.idx.msk [tilespmem:v35+s29+$0x0], $0xffff;
	_ =	sdelay $0x4  }
0x19c: {  	v54 =	vand.u32 $0xFFFFFFF8, v53  }
0x19d: {  	v36 =	vand.u32 $0x7, v53;
	v37 =	vadd.s32 s20, v54  }
0x19e: {  	v36 =	vor.u32 v36, v37;
	_ =	sdelay $0x3  }
0x19f: {  	v35 =	vld.idx.msk [tilespmem:v35+s30+$0x0], $0xffff  }
0x1a0: {  	v36 =	vld.idx.msk [tilespmem:v36+s12+$0x0], $0xffff;
	_ =	sdelay $0x4  }
0x1a1: {  	vm14 =	vge.f32 v36, v35  }
0x1a2: {  	v55 =	vshll.u32 v34, $0x1;
	v36 =	vsel vm14, $0x1, v4  }
0x1a3: {  	v35 =	vor.u32 v36, v55  }
0x1a4: {  	v36 =	vand.u32 $0x7, v35  }
0x1a5: {  	v36 =	vor.u32 v16, v36;
	_ =	sdelay $0x4  }
0x1a6: {  	v56 =	vld.idx.msk [tilespmem:v36+s31+$0x0], $0xffff;
	_ =	sdelay $0x4  }
0x1a7: {  	v57 =	vand.u32 $0xFFFFFFF8, v56  }
0x1a8: {  	v37 =	vand.u32 $0x7, v56;
	v38 =	vadd.s32 s20, v57  }
0x1a9: {  	v37 =	vor.u32 v37, v38;
	_ =	sdelay $0x3  }
0x1aa: {  	v36 =	vld.idx.msk [tilespmem:v36+s1+$0x0], $0xffff  }
0x1ab: {  	v37 =	vld.idx.msk [tilespmem:v37+s12+$0x0], $0xffff;
	_ =	sdelay $0x4  }
0x1ac: {  	vm15 =	vge.f32 v37, v36  }
0x1ad: {  	v35 =	vshll.u32 v35, $0x1;
	v36 =	vsel vm15, $0x1, v4  }
0x1ae: {  	v35 =	vor.u32 v36, v35  }
0x1af: {  	v33 =	vshll.u32 v33, $0x3;
	v36 =	vand.u32 $0x7, v35  }
0x1b0: {  	v33 =	vor.u32 v33, v36;
	_ =	sdelay $0x4  }
0x1b1: {  	v36 =	vld.idx.msk [tilespmem:v33+s2+$0x0], $0xffff;
	_ =	sdelay $0x4  }
0x1b2: {  	v58 =	vand.u32 $0xFFFFFFF8, v36  }
0x1b3: {  	v36 =	vand.u32 $0x7, v36;
	v37 =	vadd.s32 s20, v58  }
0x1b4: {  	v36 =	vor.u32 v36, v37;
	_ =	sdelay $0x3  }
0x1b5: {  	v33 =	vld.idx.msk [tilespmem:v33+s4+$0x0], $0xffff  }
0x1b6: {  	v36 =	vld.idx.msk [tilespmem:v36+s12+$0x0], $0xffff;
	_ =	sdelay $0x4  }
0x1b7: {  	vm4 =	vge.f32 v36, v33  }
0x1b8: {  	v59 =	vshll.u32 v35, $0x1;
	v60 =	vsel vm4, $0x1, v4  }
0x1b9: {  	v33 =	vor.u32 v60, v59  }
0x1ba: {  	v34 =	vshll.u32 v34, $0x3;
	v35 =	vand.u32 $0x7, v33  }
0x1bb: {  	v34 =	vor.u32 v34, v35;
	_ =	sdelay $0x4  }
0x1bc: {  	v35 =	vld.idx.msk [tilespmem:v34+s5+$0x0], $0xffff;
	_ =	sdelay $0x4  }
0x1bd: {  	v61 =	vand.u32 $0xFFFFFFF8, v35  }
0x1be: {  	v35 =	vand.u32 $0x7, v35;
	v36 =	vadd.s32 s20, v61  }
0x1bf: {  	v35 =	vor.u32 v35, v36;
	_ =	sdelay $0x3  }
0x1c0: {  	v34 =	vld.idx.msk [tilespmem:v34+s6+$0x0], $0xffff  }
0x1c1: {  	v35 =	vld.idx.msk [tilespmem:v35+s12+$0x0], $0xffff;
	_ =	sdelay $0x4  }
0x1c2: {  	vm5 =	vge.f32 v35, v34  }
0x1c3: {  	v33 =	vshll.u32 v33, $0x1;
	v34 =	vsel vm5, $0x1, v4  }
0x1c4: {  	v33 =	vor.u32 v34, v33;
	_ =	sdelay $0x4  }
0x1c5: {  	v34 =	vld.idx.msk [tilespmem:v33+s7+$0x0], $0xffff;
	_ =	sdelay $0x4  }
0x1c6: {  	v62 =	vand.u32 $0xFFFFFFF8, v34  }
0x1c7: {  	v34 =	vand.u32 $0x7, v34;
	v35 =	vadd.s32 s20, v62  }
0x1c8: {  	v34 =	vor.u32 v34, v35;
	_ =	sdelay $0x3  }
0x1c9: {  	v63 =	vld.idx.msk [tilespmem:v33+s8+$0x0], $0xffff  }
0x1ca: {  	v34 =	vld.idx.msk [tilespmem:v34+s12+$0x0], $0xffff;
	_ =	sdelay $0x4  }
0x1cb: {  	vm6 =	vge.f32 v34, v63  }
0x1cc: {  	v33 =	vshll.u32 v33, $0x1;
	v34 =	vsel vm6, $0x1, v4  }
0x1cd: {  	v33 =	vor.u32 v34, v33;
	_ =	sdelay $0x4  }
0x1ce: {  	v34 =	vld.idx.msk [tilespmem:v33+s9+$0x0], $0xffff;
	_ =	sdelay $0x4  }
0x1cf: {  	v36 =	vand.u32 $0xFFFFFFF8, v34  }
0x1d0: {  	v34 =	vand.u32 $0x7, v34;
	v35 =	vadd.s32 s20, v36  }
0x1d1: {  	v34 =	vor.u32 v34, v35;
	_ =	sdelay $0x3  }
0x1d2: {  	v37 =	vld.idx.msk [tilespmem:v33+s10+$0x0], $0xffff  }
0x1d3: {  	v34 =	vld.idx.msk [tilespmem:v34+s12+$0x0], $0xffff;
	_ =	sdelay $0x4  }
0x1d4: {  	vm7 =	vge.f32 v34, v37  }
0x1d5: {  	v33 =	vshll.u32 v33, $0x1;
	v34 =	vsel vm7, $0x1, v4  }
0x1d6: {  	v33 =	vor.u32 v34, v33;
	_ =	sdelay $0x4  }
0x1d7: {  	v33 =	vld.idx.msk [tilespmem:v33+s11+$0x0], $0xffff;
	_ =	sdelay $0x4  }
0x1d8: {  	[tilespmem:s19+$0xFFFFFFF0] =	vst v33  }
0x1d9: {  	v33 =	vld [tilespmem:$0x40];
	_ =	sdelay $0x4  }
0x1da: {  	v38 =	vand.u32 $0xFFFFFFF8, v33  }
0x1db: {  	v33 =	vand.u32 $0x7, v33;
	v34 =	vadd.s32 s20, v38  }
0x1dc: {  	v33 =	vor.u32 v33, v34;
	_ =	sdelay $0x3  }
0x1dd: {  	v39 =	vld [tilespmem:$0xC0]  }
0x1de: {  	v33 =	vld.idx.msk [tilespmem:v33+s12+$0x0], $0xffff;
	_ =	sdelay $0x4  }
0x1df: {  	vm8 =	vge.f32 v33, v39  }
0x1e0: {  	v33 =	vsel vm8, v18, v17;
	_ =	sdelay $0x4  }
0x1e1: {  	v40 =	vld.idx.msk [tilespmem:v33+s26+$0x0], $0xffff;
	_ =	sdelay $0x4  }
0x1e2: {  	v41 =	vand.u32 $0xFFFFFFF8, v40  }
0x1e3: {  	v34 =	vand.u32 $0x7, v40;
	v35 =	vadd.s32 s20, v41  }
0x1e4: {  	v34 =	vor.u32 v34, v35;
	_ =	sdelay $0x3  }
0x1e5: {  	v42 =	vld.idx.msk [tilespmem:v33+s28+$0x0], $0xffff  }
0x1e6: {  	v34 =	vld.idx.msk [tilespmem:v34+s12+$0x0], $0xffff;
	_ =	sdelay $0x4  }
0x1e7: {  	vm9 =	vge.f32 v34, v42  }
0x1e8: {  	v43 =	vshll.u32 v33, $0x1;
	v35 =	vsel vm9, $0x1, v4  }
0x1e9: {  	v34 =	vor.u32 v35, v43  }
0x1ea: {  	v35 =	vand.u32 $0x7, v34  }
0x1eb: {  	v35 =	vor.u32 v19, v35;
	_ =	sdelay $0x4  }
0x1ec: {  	v44 =	vld.idx.msk [tilespmem:v35+s29+$0x0], $0xffff;
	_ =	sdelay $0x4  }
0x1ed: {  	v45 =	vand.u32 $0xFFFFFFF8, v44  }
0x1ee: {  	v36 =	vand.u32 $0x7, v44;
	v37 =	vadd.s32 s20, v45  }
0x1ef: {  	v36 =	vor.u32 v36, v37;
	_ =	sdelay $0x3  }
0x1f0: {  	v35 =	vld.idx.msk [tilespmem:v35+s30+$0x0], $0xffff  }
0x1f1: {  	v36 =	vld.idx.msk [tilespmem:v36+s12+$0x0], $0xffff;
	_ =	sdelay $0x4  }
0x1f2: {  	vm10 =	vge.f32 v36, v35  }
0x1f3: {  	v46 =	vshll.u32 v34, $0x1;
	v36 =	vsel vm10, $0x1, v4  }
0x1f4: {  	v35 =	vor.u32 v36, v46  }
0x1f5: {  	v36 =	vand.u32 $0x7, v35  }
0x1f6: {  	v36 =	vor.u32 v20, v36;
	_ =	sdelay $0x4  }
0x1f7: {  	v47 =	vld.idx.msk [tilespmem:v36+s31+$0x0], $0xffff;
	_ =	sdelay $0x4  }
0x1f8: {  	v48 =	vand.u32 $0xFFFFFFF8, v47  }
0x1f9: {  	v37 =	vand.u32 $0x7, v47;
	v38 =	vadd.s32 s20, v48  }
0x1fa: {  	v37 =	vor.u32 v37, v38;
	_ =	sdelay $0x3  }
0x1fb: {  	v36 =	vld.idx.msk [tilespmem:v36+s1+$0x0], $0xffff  }
0x1fc: {  	v37 =	vld.idx.msk [tilespmem:v37+s12+$0x0], $0xffff;
	_ =	sdelay $0x4  }
0x1fd: {  	vm11 =	vge.f32 v37, v36  }
0x1fe: {  	v35 =	vshll.u32 v35, $0x1;
	v36 =	vsel vm11, $0x1, v4  }
0x1ff: {  	v35 =	vor.u32 v36, v35  }
0x200: {  	v33 =	vshll.u32 v33, $0x3;
	v36 =	vand.u32 $0x7, v35  }
0x201: {  	v33 =	vor.u32 v33, v36;
	_ =	sdelay $0x4  }
0x202: {  	v36 =	vld.idx.msk [tilespmem:v33+s2+$0x0], $0xffff;
	_ =	sdelay $0x4  }
0x203: {  	v49 =	vand.u32 $0xFFFFFFF8, v36  }
0x204: {  	v36 =	vand.u32 $0x7, v36;
	v37 =	vadd.s32 s20, v49  }
0x205: {  	v36 =	vor.u32 v36, v37;
	_ =	sdelay $0x3  }
0x206: {  	v33 =	vld.idx.msk [tilespmem:v33+s4+$0x0], $0xffff  }
0x207: {  	v36 =	vld.idx.msk [tilespmem:v36+s12+$0x0], $0xffff;
	_ =	sdelay $0x4  }
0x208: {  	vm12 =	vge.f32 v36, v33  }
0x209: {  	v50 =	vshll.u32 v35, $0x1;
	v51 =	vsel vm12, $0x1, v4  }
0x20a: {  	v33 =	vor.u32 v51, v50  }
0x20b: {  	v34 =	vshll.u32 v34, $0x3;
	v35 =	vand.u32 $0x7, v33  }
0x20c: {  	v34 =	vor.u32 v34, v35;
	_ =	sdelay $0x4  }
0x20d: {  	v35 =	vld.idx.msk [tilespmem:v34+s5+$0x0], $0xffff;
	_ =	sdelay $0x4  }
0x20e: {  	v52 =	vand.u32 $0xFFFFFFF8, v35  }
0x20f: {  	v35 =	vand.u32 $0x7, v35;
	v36 =	vadd.s32 s20, v52  }
0x210: {  	v35 =	vor.u32 v35, v36;
	_ =	sdelay $0x3  }
0x211: {  	v34 =	vld.idx.msk [tilespmem:v34+s6+$0x0], $0xffff  }
0x212: {  	v35 =	vld.idx.msk [tilespmem:v35+s12+$0x0], $0xffff;
	_ =	sdelay $0x4  }
0x213: {  	vm13 =	vge.f32 v35, v34  }
0x214: {  	v33 =	vshll.u32 v33, $0x1;
	v34 =	vsel vm13, $0x1, v4  }
0x215: {  	v33 =	vor.u32 v34, v33;
	_ =	sdelay $0x4  }
0x216: {  	v34 =	vld.idx.msk [tilespmem:v33+s7+$0x0], $0xffff;
	_ =	sdelay $0x4  }
0x217: {  	v53 =	vand.u32 $0xFFFFFFF8, v34  }
0x218: {  	v34 =	vand.u32 $0x7, v34;
	v35 =	vadd.s32 s20, v53  }
0x219: {  	v34 =	vor.u32 v34, v35;
	_ =	sdelay $0x3  }
0x21a: {  	v54 =	vld.idx.msk [tilespmem:v33+s8+$0x0], $0xffff  }
0x21b: {  	v34 =	vld.idx.msk [tilespmem:v34+s12+$0x0], $0xffff;
	_ =	sdelay $0x4  }
0x21c: {  	vm14 =	vge.f32 v34, v54  }
0x21d: {  	v33 =	vshll.u32 v33, $0x1;
	v34 =	vsel vm14, $0x1, v4  }
0x21e: {  	v33 =	vor.u32 v34, v33;
	_ =	sdelay $0x4  }
0x21f: {  	v34 =	vld.idx.msk [tilespmem:v33+s9+$0x0], $0xffff;
	_ =	sdelay $0x4  }
0x220: {  	v55 =	vand.u32 $0xFFFFFFF8, v34  }
0x221: {  	v34 =	vand.u32 $0x7, v34;
	v35 =	vadd.s32 s20, v55  }
0x222: {  	v34 =	vor.u32 v34, v35;
	_ =	sdelay $0x3  }
0x223: {  	v56 =	vld.idx.msk [tilespmem:v33+s10+$0x0], $0xffff  }
0x224: {  	v34 =	vld.idx.msk [tilespmem:v34+s12+$0x0], $0xffff;
	_ =	sdelay $0x4  }
0x225: {  	vm15 =	vge.f32 v34, v56  }
0x226: {  	v33 =	vshll.u32 v33, $0x1;
	v34 =	vsel vm15, $0x1, v4  }
0x227: {  	v33 =	vor.u32 v34, v33;
	_ =	sdelay $0x4  }
0x228: {  	v33 =	vld.idx.msk [tilespmem:v33+s11+$0x0], $0xffff;
	_ =	sdelay $0x4  }
0x229: {  	[tilespmem:s19+$0x0] =	vst v33  }
0x22a: {  	v33 =	vld [tilespmem:$0x50];
	_ =	sdelay $0x4  }
0x22b: {  	v57 =	vand.u32 $0xFFFFFFF8, v33  }
0x22c: {  	v33 =	vand.u32 $0x7, v33;
	v34 =	vadd.s32 s20, v57  }
0x22d: {  	v33 =	vor.u32 v33, v34;
	_ =	sdelay $0x3  }
0x22e: {  	v58 =	vld [tilespmem:$0xD0]  }
0x22f: {  	v33 =	vld.idx.msk [tilespmem:v33+s12+$0x0], $0xffff;
	_ =	sdelay $0x4  }
0x230: {  	vm4 =	vge.f32 v33, v58  }
0x231: {  	v33 =	vsel vm4, v22, v21;
	_ =	sdelay $0x4  }
0x232: {  	v59 =	vld.idx.msk [tilespmem:v33+s26+$0x0], $0xffff;
	_ =	sdelay $0x4  }
0x233: {  	v60 =	vand.u32 $0xFFFFFFF8, v59  }
0x234: {  	v34 =	vand.u32 $0x7, v59;
	v35 =	vadd.s32 s20, v60  }
0x235: {  	v34 =	vor.u32 v34, v35;
	_ =	sdelay $0x3  }
0x236: {  	v61 =	vld.idx.msk [tilespmem:v33+s28+$0x0], $0xffff  }
0x237: {  	v34 =	vld.idx.msk [tilespmem:v34+s12+$0x0], $0xffff;
	_ =	sdelay $0x4  }
0x238: {  	vm5 =	vge.f32 v34, v61  }
0x239: {  	v62 =	vshll.u32 v33, $0x1;
	v35 =	vsel vm5, $0x1, v4  }
0x23a: {  	v34 =	vor.u32 v35, v62  }
0x23b: {  	v35 =	vand.u32 $0x7, v34  }
0x23c: {  	v35 =	vor.u32 v23, v35;
	_ =	sdelay $0x4  }
0x23d: {  	v63 =	vld.idx.msk [tilespmem:v35+s29+$0x0], $0xffff;
	_ =	sdelay $0x4  }
0x23e: {  	v40 =	vand.u32 $0xFFFFFFF8, v63  }
0x23f: {  	v36 =	vand.u32 $0x7, v63;
	v37 =	vadd.s32 s20, v40  }
0x240: {  	v36 =	vor.u32 v36, v37;
	_ =	sdelay $0x3  }
0x241: {  	v35 =	vld.idx.msk [tilespmem:v35+s30+$0x0], $0xffff  }
0x242: {  	v36 =	vld.idx.msk [tilespmem:v36+s12+$0x0], $0xffff;
	_ =	sdelay $0x4  }
0x243: {  	vm6 =	vge.f32 v36, v35  }
0x244: {  	v41 =	vshll.u32 v34, $0x1;
	v36 =	vsel vm6, $0x1, v4  }
0x245: {  	v35 =	vor.u32 v36, v41  }
0x246: {  	v36 =	vand.u32 $0x7, v35  }
0x247: {  	v36 =	vor.u32 v24, v36;
	_ =	sdelay $0x4  }
0x248: {  	v42 =	vld.idx.msk [tilespmem:v36+s31+$0x0], $0xffff;
	_ =	sdelay $0x4  }
0x249: {  	v43 =	vand.u32 $0xFFFFFFF8, v42  }
0x24a: {  	v37 =	vand.u32 $0x7, v42;
	v38 =	vadd.s32 s20, v43  }
0x24b: {  	v37 =	vor.u32 v37, v38;
	_ =	sdelay $0x3  }
0x24c: {  	v36 =	vld.idx.msk [tilespmem:v36+s1+$0x0], $0xffff  }
0x24d: {  	v37 =	vld.idx.msk [tilespmem:v37+s12+$0x0], $0xffff;
	_ =	sdelay $0x4  }
0x24e: {  	vm7 =	vge.f32 v37, v36  }
0x24f: {  	v35 =	vshll.u32 v35, $0x1;
	v36 =	vsel vm7, $0x1, v4  }
0x250: {  	v35 =	vor.u32 v36, v35  }
0x251: {  	v33 =	vshll.u32 v33, $0x3;
	v36 =	vand.u32 $0x7, v35  }
0x252: {  	v33 =	vor.u32 v33, v36;
	_ =	sdelay $0x4  }
0x253: {  	v36 =	vld.idx.msk [tilespmem:v33+s2+$0x0], $0xffff;
	_ =	sdelay $0x4  }
0x254: {  	v44 =	vand.u32 $0xFFFFFFF8, v36  }
0x255: {  	v36 =	vand.u32 $0x7, v36;
	v37 =	vadd.s32 s20, v44  }
0x256: {  	v36 =	vor.u32 v36, v37;
	_ =	sdelay $0x3  }
0x257: {  	v33 =	vld.idx.msk [tilespmem:v33+s4+$0x0], $0xffff  }
0x258: {  	v36 =	vld.idx.msk [tilespmem:v36+s12+$0x0], $0xffff;
	_ =	sdelay $0x4  }
0x259: {  	vm8 =	vge.f32 v36, v33  }
0x25a: {  	v45 =	vshll.u32 v35, $0x1;
	v46 =	vsel vm8, $0x1, v4  }
0x25b: {  	v33 =	vor.u32 v46, v45  }
0x25c: {  	v34 =	vshll.u32 v34, $0x3;
	v35 =	vand.u32 $0x7, v33  }
0x25d: {  	v34 =	vor.u32 v34, v35;
	_ =	sdelay $0x4  }
0x25e: {  	v35 =	vld.idx.msk [tilespmem:v34+s5+$0x0], $0xffff;
	_ =	sdelay $0x4  }
0x25f: {  	v47 =	vand.u32 $0xFFFFFFF8, v35  }
0x260: {  	v35 =	vand.u32 $0x7, v35;
	v36 =	vadd.s32 s20, v47  }
0x261: {  	v35 =	vor.u32 v35, v36;
	_ =	sdelay $0x3  }
0x262: {  	v34 =	vld.idx.msk [tilespmem:v34+s6+$0x0], $0xffff  }
0x263: {  	v35 =	vld.idx.msk [tilespmem:v35+s12+$0x0], $0xffff;
	_ =	sdelay $0x4  }
0x264: {  	vm9 =	vge.f32 v35, v34  }
0x265: {  	v33 =	vshll.u32 v33, $0x1;
	v34 =	vsel vm9, $0x1, v4  }
0x266: {  	v33 =	vor.u32 v34, v33;
	_ =	sdelay $0x4  }
0x267: {  	v34 =	vld.idx.msk [tilespmem:v33+s7+$0x0], $0xffff;
	_ =	sdelay $0x4  }
0x268: {  	v48 =	vand.u32 $0xFFFFFFF8, v34  }
0x269: {  	v34 =	vand.u32 $0x7, v34;
	v35 =	vadd.s32 s20, v48  }
0x26a: {  	v34 =	vor.u32 v34, v35;
	_ =	sdelay $0x3  }
0x26b: {  	v49 =	vld.idx.msk [tilespmem:v33+s8+$0x0], $0xffff  }
0x26c: {  	v34 =	vld.idx.msk [tilespmem:v34+s12+$0x0], $0xffff;
	_ =	sdelay $0x4  }
0x26d: {  	vm10 =	vge.f32 v34, v49  }
0x26e: {  	v33 =	vshll.u32 v33, $0x1;
	v34 =	vsel vm10, $0x1, v4  }
0x26f: {  	v33 =	vor.u32 v34, v33;
	_ =	sdelay $0x4  }
0x270: {  	v34 =	vld.idx.msk [tilespmem:v33+s9+$0x0], $0xffff;
	_ =	sdelay $0x4  }
0x271: {  	v50 =	vand.u32 $0xFFFFFFF8, v34  }
0x272: {  	v34 =	vand.u32 $0x7, v34;
	v35 =	vadd.s32 s20, v50  }
0x273: {  	v34 =	vor.u32 v34, v35;
	_ =	sdelay $0x3  }
0x274: {  	v51 =	vld.idx.msk [tilespmem:v33+s10+$0x0], $0xffff  }
0x275: {  	v34 =	vld.idx.msk [tilespmem:v34+s12+$0x0], $0xffff;
	_ =	sdelay $0x4  }
0x276: {  	vm11 =	vge.f32 v34, v51  }
0x277: {  	v33 =	vshll.u32 v33, $0x1;
	v34 =	vsel vm11, $0x1, v4  }
0x278: {  	v33 =	vor.u32 v34, v33;
	_ =	sdelay $0x4  }
0x279: {  	v33 =	vld.idx.msk [tilespmem:v33+s11+$0x0], $0xffff;
	_ =	sdelay $0x4  }
0x27a: {  	[tilespmem:s19+$0x10] =	vst v33  }
0x27b: {  	v33 =	vld [tilespmem:$0x60];
	_ =	sdelay $0x4  }
0x27c: {  	v52 =	vand.u32 $0xFFFFFFF8, v33  }
0x27d: {  	v33 =	vand.u32 $0x7, v33;
	v34 =	vadd.s32 s20, v52  }
0x27e: {  	v33 =	vor.u32 v33, v34;
	_ =	sdelay $0x3  }
0x27f: {  	v53 =	vld [tilespmem:$0xE0]  }
0x280: {  	v33 =	vld.idx.msk [tilespmem:v33+s12+$0x0], $0xffff;
	_ =	sdelay $0x4  }
0x281: {  	vm12 =	vge.f32 v33, v53  }
0x282: {  	v33 =	vsel vm12, v26, v25;
	_ =	sdelay $0x4  }
0x283: {  	v54 =	vld.idx.msk [tilespmem:v33+s26+$0x0], $0xffff;
	_ =	sdelay $0x4  }
0x284: {  	v55 =	vand.u32 $0xFFFFFFF8, v54  }
0x285: {  	v34 =	vand.u32 $0x7, v54;
	v35 =	vadd.s32 s20, v55  }
0x286: {  	v34 =	vor.u32 v34, v35;
	_ =	sdelay $0x3  }
0x287: {  	v56 =	vld.idx.msk [tilespmem:v33+s28+$0x0], $0xffff  }
0x288: {  	v34 =	vld.idx.msk [tilespmem:v34+s12+$0x0], $0xffff;
	_ =	sdelay $0x4  }
0x289: {  	vm13 =	vge.f32 v34, v56  }
0x28a: {  	v57 =	vshll.u32 v33, $0x1;
	v35 =	vsel vm13, $0x1, v4  }
0x28b: {  	v34 =	vor.u32 v35, v57  }
0x28c: {  	v35 =	vand.u32 $0x7, v34  }
0x28d: {  	v35 =	vor.u32 v27, v35;
	_ =	sdelay $0x4  }
0x28e: {  	v58 =	vld.idx.msk [tilespmem:v35+s29+$0x0], $0xffff;
	_ =	sdelay $0x4  }
0x28f: {  	v59 =	vand.u32 $0xFFFFFFF8, v58  }
0x290: {  	v36 =	vand.u32 $0x7, v58;
	v37 =	vadd.s32 s20, v59  }
0x291: {  	v36 =	vor.u32 v36, v37;
	_ =	sdelay $0x3  }
0x292: {  	v35 =	vld.idx.msk [tilespmem:v35+s30+$0x0], $0xffff  }
0x293: {  	v36 =	vld.idx.msk [tilespmem:v36+s12+$0x0], $0xffff;
	_ =	sdelay $0x4  }
0x294: {  	vm14 =	vge.f32 v36, v35  }
0x295: {  	v60 =	vshll.u32 v34, $0x1;
	v36 =	vsel vm14, $0x1, v4  }
0x296: {  	v35 =	vor.u32 v36, v60  }
0x297: {  	v36 =	vand.u32 $0x7, v35  }
0x298: {  	v36 =	vor.u32 v28, v36;
	_ =	sdelay $0x4  }
0x299: {  	v61 =	vld.idx.msk [tilespmem:v36+s31+$0x0], $0xffff;
	_ =	sdelay $0x4  }
0x29a: {  	v62 =	vand.u32 $0xFFFFFFF8, v61  }
0x29b: {  	v37 =	vand.u32 $0x7, v61;
	v38 =	vadd.s32 s20, v62  }
0x29c: {  	v37 =	vor.u32 v37, v38;
	_ =	sdelay $0x3  }
0x29d: {  	v36 =	vld.idx.msk [tilespmem:v36+s1+$0x0], $0xffff  }
0x29e: {  	v37 =	vld.idx.msk [tilespmem:v37+s12+$0x0], $0xffff;
	_ =	sdelay $0x4  }
0x29f: {  	vm15 =	vge.f32 v37, v36  }
0x2a0: {  	v35 =	vshll.u32 v35, $0x1;
	v36 =	vsel vm15, $0x1, v4  }
0x2a1: {  	v35 =	vor.u32 v36, v35  }
0x2a2: {  	v33 =	vshll.u32 v33, $0x3;
	v36 =	vand.u32 $0x7, v35  }
0x2a3: {  	v33 =	vor.u32 v33, v36;
	_ =	sdelay $0x4  }
0x2a4: {  	v36 =	vld.idx.msk [tilespmem:v33+s2+$0x0], $0xffff;
	_ =	sdelay $0x4  }
0x2a5: {  	v63 =	vand.u32 $0xFFFFFFF8, v36  }
0x2a6: {  	v36 =	vand.u32 $0x7, v36;
	v37 =	vadd.s32 s20, v63  }
0x2a7: {  	v36 =	vor.u32 v36, v37;
	_ =	sdelay $0x3  }
0x2a8: {  	v33 =	vld.idx.msk [tilespmem:v33+s4+$0x0], $0xffff  }
0x2a9: {  	v36 =	vld.idx.msk [tilespmem:v36+s12+$0x0], $0xffff;
	_ =	sdelay $0x4  }
0x2aa: {  	vm4 =	vge.f32 v36, v33  }
0x2ab: {  	v38 =	vshll.u32 v35, $0x1;
	v39 =	vsel vm4, $0x1, v4  }
0x2ac: {  	v33 =	vor.u32 v39, v38  }
0x2ad: {  	v34 =	vshll.u32 v34, $0x3;
	v35 =	vand.u32 $0x7, v33  }
0x2ae: {  	v34 =	vor.u32 v34, v35;
	_ =	sdelay $0x4  }
0x2af: {  	v35 =	vld.idx.msk [tilespmem:v34+s5+$0x0], $0xffff;
	_ =	sdelay $0x4  }
0x2b0: {  	v40 =	vand.u32 $0xFFFFFFF8, v35  }
0x2b1: {  	v35 =	vand.u32 $0x7, v35;
	v36 =	vadd.s32 s20, v40  }
0x2b2: {  	v35 =	vor.u32 v35, v36;
	_ =	sdelay $0x3  }
0x2b3: {  	v34 =	vld.idx.msk [tilespmem:v34+s6+$0x0], $0xffff  }
0x2b4: {  	v35 =	vld.idx.msk [tilespmem:v35+s12+$0x0], $0xffff;
	_ =	sdelay $0x4  }
0x2b5: {  	vm5 =	vge.f32 v35, v34  }
0x2b6: {  	v33 =	vshll.u32 v33, $0x1;
	v34 =	vsel vm5, $0x1, v4  }
0x2b7: {  	v33 =	vor.u32 v34, v33;
	_ =	sdelay $0x4  }
0x2b8: {  	v34 =	vld.idx.msk [tilespmem:v33+s7+$0x0], $0xffff;
	_ =	sdelay $0x4  }
0x2b9: {  	v41 =	vand.u32 $0xFFFFFFF8, v34  }
0x2ba: {  	v34 =	vand.u32 $0x7, v34;
	v35 =	vadd.s32 s20, v41  }
0x2bb: {  	v34 =	vor.u32 v34, v35;
	_ =	sdelay $0x3  }
0x2bc: {  	v42 =	vld.idx.msk [tilespmem:v33+s8+$0x0], $0xffff  }
0x2bd: {  	v34 =	vld.idx.msk [tilespmem:v34+s12+$0x0], $0xffff;
	_ =	sdelay $0x4  }
0x2be: {  	vm6 =	vge.f32 v34, v42  }
0x2bf: {  	v33 =	vshll.u32 v33, $0x1;
	v34 =	vsel vm6, $0x1, v4  }
0x2c0: {  	v33 =	vor.u32 v34, v33;
	_ =	sdelay $0x4  }
0x2c1: {  	v34 =	vld.idx.msk [tilespmem:v33+s9+$0x0], $0xffff;
	_ =	sdelay $0x4  }
0x2c2: {  	v43 =	vand.u32 $0xFFFFFFF8, v34  }
0x2c3: {  	v34 =	vand.u32 $0x7, v34;
	v35 =	vadd.s32 s20, v43  }
0x2c4: {  	v34 =	vor.u32 v34, v35;
	_ =	sdelay $0x3  }
0x2c5: {  	v44 =	vld.idx.msk [tilespmem:v33+s10+$0x0], $0xffff  }
0x2c6: {  	v34 =	vld.idx.msk [tilespmem:v34+s12+$0x0], $0xffff;
	_ =	sdelay $0x4  }
0x2c7: {  	vm7 =	vge.f32 v34, v44  }
0x2c8: {  	v33 =	vshll.u32 v33, $0x1;
	v34 =	vsel vm7, $0x1, v4  }
0x2c9: {  	v33 =	vor.u32 v34, v33;
	_ =	sdelay $0x4  }
0x2ca: {  	v33 =	vld.idx.msk [tilespmem:v33+s11+$0x0], $0xffff;
	_ =	sdelay $0x4  }
0x2cb: {  	[tilespmem:s19+$0x20] =	vst v33  }
0x2cc: {  	v33 =	vld [tilespmem:$0x70];
	_ =	sdelay $0x4  }
0x2cd: {  	v45 =	vand.u32 $0xFFFFFFF8, v33  }
0x2ce: {  	v33 =	vand.u32 $0x7, v33;
	v34 =	vadd.s32 s20, v45  }
0x2cf: {  	v33 =	vor.u32 v33, v34;
	_ =	sdelay $0x3  }
0x2d0: {  	v46 =	vld [tilespmem:$0xF0]  }
0x2d1: {  	v33 =	vld.idx.msk [tilespmem:v33+s12+$0x0], $0xffff;
	_ =	sdelay $0x4  }
0x2d2: {  	vm8 =	vge.f32 v33, v46  }
0x2d3: {  	v33 =	vsel vm8, v30, v29;
	_ =	sdelay $0x4  }
0x2d4: {  	v47 =	vld.idx.msk [tilespmem:v33+s26+$0x0], $0xffff;
	_ =	sdelay $0x4  }
0x2d5: {  	v48 =	vand.u32 $0xFFFFFFF8, v47  }
0x2d6: {  	v34 =	vand.u32 $0x7, v47;
	v35 =	vadd.s32 s20, v48  }
0x2d7: {  	v34 =	vor.u32 v34, v35;
	_ =	sdelay $0x3  }
0x2d8: {  	v49 =	vld.idx.msk [tilespmem:v33+s28+$0x0], $0xffff  }
0x2d9: {  	v34 =	vld.idx.msk [tilespmem:v34+s12+$0x0], $0xffff;
	_ =	sdelay $0x4  }
0x2da: {  	vm9 =	vge.f32 v34, v49  }
0x2db: {  	v50 =	vshll.u32 v33, $0x1;
	v35 =	vsel vm9, $0x1, v4  }
0x2dc: {  	v34 =	vor.u32 v35, v50  }
0x2dd: {  	v35 =	vand.u32 $0x7, v34  }
0x2de: {  	v35 =	vor.u32 v31, v35;
	_ =	sdelay $0x4  }
0x2df: {  	v51 =	vld.idx.msk [tilespmem:v35+s29+$0x0], $0xffff;
	_ =	sdelay $0x4  }
0x2e0: {  	v52 =	vand.u32 $0xFFFFFFF8, v51  }
0x2e1: {  	v36 =	vand.u32 $0x7, v51;
	v37 =	vadd.s32 s20, v52  }
0x2e2: {  	v36 =	vor.u32 v36, v37;
	_ =	sdelay $0x3  }
0x2e3: {  	v35 =	vld.idx.msk [tilespmem:v35+s30+$0x0], $0xffff  }
0x2e4: {  	v36 =	vld.idx.msk [tilespmem:v36+s12+$0x0], $0xffff;
	_ =	sdelay $0x4  }
0x2e5: {  	vm10 =	vge.f32 v36, v35  }
0x2e6: {  	v53 =	vshll.u32 v34, $0x1;
	v36 =	vsel vm10, $0x1, v4  }
0x2e7: {  	v35 =	vor.u32 v36, v53  }
0x2e8: {  	v36 =	vand.u32 $0x7, v35  }
0x2e9: {  	v36 =	vor.u32 v32, v36;
	_ =	sdelay $0x4  }
0x2ea: {  	v54 =	vld.idx.msk [tilespmem:v36+s31+$0x0], $0xffff;
	_ =	sdelay $0x4  }
0x2eb: {  	v55 =	vand.u32 $0xFFFFFFF8, v54  }
0x2ec: {  	v37 =	vand.u32 $0x7, v54;
	v38 =	vadd.s32 s20, v55  }
0x2ed: {  	v37 =	vor.u32 v37, v38;
	_ =	sdelay $0x3  }
0x2ee: {  	v36 =	vld.idx.msk [tilespmem:v36+s1+$0x0], $0xffff  }
0x2ef: {  	v37 =	vld.idx.msk [tilespmem:v37+s12+$0x0], $0xffff;
	_ =	sdelay $0x4  }
0x2f0: {  	vm11 =	vge.f32 v37, v36  }
0x2f1: {  	v35 =	vshll.u32 v35, $0x1;
	v36 =	vsel vm11, $0x1, v4  }
0x2f2: {  	v35 =	vor.u32 v36, v35  }
0x2f3: {  	v33 =	vshll.u32 v33, $0x3;
	v36 =	vand.u32 $0x7, v35  }
0x2f4: {  	v33 =	vor.u32 v33, v36;
	_ =	sdelay $0x4  }
0x2f5: {  	v36 =	vld.idx.msk [tilespmem:v33+s2+$0x0], $0xffff;
	_ =	sdelay $0x4  }
0x2f6: {  	v56 =	vand.u32 $0xFFFFFFF8, v36  }
0x2f7: {  	v36 =	vand.u32 $0x7, v36;
	v37 =	vadd.s32 s20, v56  }
0x2f8: {  	v36 =	vor.u32 v36, v37;
	_ =	sdelay $0x3  }
0x2f9: {  	v33 =	vld.idx.msk [tilespmem:v33+s4+$0x0], $0xffff  }
0x2fa: {  	v36 =	vld.idx.msk [tilespmem:v36+s12+$0x0], $0xffff;
	_ =	sdelay $0x4  }
0x2fb: {  	vm12 =	vge.f32 v36, v33  }
0x2fc: {  	v57 =	vshll.u32 v35, $0x1;
	v58 =	vsel vm12, $0x1, v4  }
0x2fd: {  	v33 =	vor.u32 v58, v57  }
0x2fe: {  	v34 =	vshll.u32 v34, $0x3;
	v35 =	vand.u32 $0x7, v33  }
0x2ff: {  	v34 =	vor.u32 v34, v35;
	_ =	sdelay $0x4  }
0x300: {  	v35 =	vld.idx.msk [tilespmem:v34+s5+$0x0], $0xffff;
	_ =	sdelay $0x4  }
0x301: {  	v59 =	vand.u32 $0xFFFFFFF8, v35  }
0x302: {  	v35 =	vand.u32 $0x7, v35;
	v36 =	vadd.s32 s20, v59  }
0x303: {  	v35 =	vor.u32 v35, v36;
	_ =	sdelay $0x3  }
0x304: {  	v34 =	vld.idx.msk [tilespmem:v34+s6+$0x0], $0xffff  }
0x305: {  	v35 =	vld.idx.msk [tilespmem:v35+s12+$0x0], $0xffff;
	_ =	sdelay $0x4  }
0x306: {  	vm13 =	vge.f32 v35, v34  }
0x307: {  	v33 =	vshll.u32 v33, $0x1;
	v34 =	vsel vm13, $0x1, v4  }
0x308: {  	v33 =	vor.u32 v34, v33;
	_ =	sdelay $0x4  }
0x309: {  	v34 =	vld.idx.msk [tilespmem:v33+s7+$0x0], $0xffff;
	_ =	sdelay $0x4  }
0x30a: {  	v60 =	vand.u32 $0xFFFFFFF8, v34  }
0x30b: {  	v34 =	vand.u32 $0x7, v34;
	v35 =	vadd.s32 s20, v60  }
0x30c: {  	v34 =	vor.u32 v34, v35;
	_ =	sdelay $0x3  }
0x30d: {  	v61 =	vld.idx.msk [tilespmem:v33+s8+$0x0], $0xffff  }
0x30e: {  	v34 =	vld.idx.msk [tilespmem:v34+s12+$0x0], $0xffff;
	_ =	sdelay $0x4  }
0x30f: {  	vm14 =	vge.f32 v34, v61  }
0x310: {  	v33 =	vshll.u32 v33, $0x1;
	v34 =	vsel vm14, $0x1, v4  }
0x311: {  	v33 =	vor.u32 v34, v33;
	_ =	sdelay $0x4  }
0x312: {  	v34 =	vld.idx.msk [tilespmem:v33+s9+$0x0], $0xffff;
	_ =	sdelay $0x4  }
0x313: {  	v62 =	vand.u32 $0xFFFFFFF8, v34  }
0x314: {  	v34 =	vand.u32 $0x7, v34;
	v35 =	vadd.s32 s20, v62  }
0x315: {  	v34 =	vor.u32 v34, v35;
	_ =	sdelay $0x3  }
0x316: {  	v63 =	vld.idx.msk [tilespmem:v33+s10+$0x0], $0xffff  }
0x317: {  	v34 =	vld.idx.msk [tilespmem:v34+s12+$0x0], $0xffff;
	_ =	sdelay $0x4  }
0x318: {  	vm15 =	vge.f32 v34, v63  }
0x319: {  	v33 =	vshll.u32 v33, $0x1;
	v34 =	vsel vm15, $0x1, v4  }
0x31a: {  	v33 =	vor.u32 v34, v33;
	_ =	sdelay $0x4  }
0x31b: {  	p0 =	sne.s32 s17, $0x1F;
	v33 =	vld.idx.msk [tilespmem:v33+s11+$0x0], $0xffff  }
.Ltmp0:
0x31c: {  	_ = 	snop;
	(pc) =	sbr.rel @p0 .LBB3_3-.Ltmp0, $2  }
0x31d: {  	_ =	sdelay $0x2  }
0x31e: {  	s17 =	sadd.s32 $0x1, s17;
	[tilespmem:s19+$0x30] =	vst v33;
	s19 =	sadd.s32 $0x80, s19  }
0x31f: {  	s15 =	sadd.s32 $0x1, s15  }
0x320: {  	s16 =	sshll.u32 s16, $0x6;
	p0 =	sne.s32 s15, $0x40  }
.Ltmp1:
0x321: {  	s16 =	sadd.s32 s16, s22;
	(pc) =	sbr.rel @p0 .LBB3_2-.Ltmp1, $4  }
0x322: {  	[hbm4b:s16+s25] =	stream.strided.scatter [tilespmem:s13], [sflag:$0x1], $0x1000, s29, s25, $0x38;
	[tilespmem:$0x1AF00] =	vst v63  }
0x323: {  	_ =	swait.ge [sflag:s24], $0x1000  }
0x324: {  	[sflag:s24] =	ssyncset.done $0x0  }
0x325: {  	[sflag:s24] =	ssyncadd.s32 $0xFFFFF000  }
0x326: {  	s14 =	sadd.s32 $0x1, s14  }
0x327: {  	p0 =	sne.s32 s14, s23  }
.Ltmp2:
0x328: {  	_ = 	snop;
	(pc) =	sbr.rel @p0 .LBB3_1-.Ltmp2, $1  }
0x329: {  	_ =	sdelay $0x3  }
0x32a: {  	_ =	sfence.sel $0x180000  }
0x32b: {  	[bflag:$0x0] =	sbarrier.arrive $0xFFFF  }
0x32c: {  	_ =	strace $0x90000047  }
0x32d: {  	s0 =	stileid.u32;
	[bflag:$0x2] =	sbarrier.arrive $0xFFFF  }
0x32e: {  	p0 =	sne.s32 s0, $0x0;
	s0 =	rddreg [dreg:$0xe]  }
0x32f: {  	s0 =	sadd.s32 @!p0 $0x100000, s0  }
0x330: {  	[sflag:s0] =	ssyncadd.tile.s32 @!p0 $0x1;
	_ =	shalt  }
.Lfunc_end3:
_tile_overlayer_lowered:
.L_overlay_start_3:
0x331: {  	(tag) =	ssettag $0x3  }
0x332: {  	s0 =	rddreg [dreg:$0x0];
	s2 =	stileid.u32  }
0x333: {  	s1 =	rddreg [dreg:$0x1];
	p0 =	sne.s32 s2, $0x0  }
0x334: {  	s3 =	rddreg [dreg:$0x2];
	[bflag:$0x3] =	sbarrier.arrive $0xFFFF;
	s2 =	simm.s32 @!p0 $0x1C01  }
0x335: {  	[timem:s3], [sflag:s2] =	dma.local @!p0 [hbm:s0], s1  }
0x336: {  	s0 =	simm.s32 @!p0 $0x1  }
0x337: {  	_ =	swait.ge @!p0 [sflag:s0], s1  }
0x338: {  	s1 =	ssub.s32 @!p0 $0x0, s1;
	[sflag:s0] =	ssyncset.done @!p0 $0x0  }
0x339: {  	[sflag:s0] =	ssyncadd.s32 @!p0 s1  }
0x33a: {  	[bflag:$0x3] =	sbarrier.arrive $0xFFFF  }
0x33b: {  	_ =	shalt  }

</sc_bundles>
